<compile_context>
chip_gen: v7x
topology: tpu7x:2x2x1
jax: 0.10.2.dev20260603
libtpu: 0.0.44.dev20260713+nightly
codegen_flags: <defaults>
</compile_context>

<pallas_src>
import functools

import jax
import jax.numpy as jnp
from jax import lax
from jax.experimental import pallas as pl
from jax.experimental.pallas import tpu as pltpu
from jax.experimental.pallas import tpu_sc as plsc

_N_NODES = 10000
_N_EDGES = 320000
_NODE_DIM = 256
_EDGE_DIM = 128
_N_POS = 128
_N_ATTR = 64
_N_COMB = _N_POS * _N_ATTR
_NODE_ROWS = 1000

_NC, _NS = 2, 16
_NW = _NC * _NS

_BE = _N_EDGES // _NW
_CE = 80
_NBUF = 5
_NCH = _BE // _CE

_XBLK = 400
_XG = _N_NODES // _XBLK


def _combine_body(pos_ref, edge_ref, out_ref):
    out_ref[:] = pos_ref[:][:, None, :] + edge_ref[:][None, :, :]


def _build_combined(pos_table, edge_table):
    out3 = pl.pallas_call(
        _combine_body,
        out_shape=jax.ShapeDtypeStruct((_N_POS, _N_ATTR, _EDGE_DIM), jnp.float32),
    )(pos_table, edge_table)
    return out3.reshape(_N_COMB, _EDGE_DIM)


def _x_body(x_ref, nt_ref, out_ref):
    xb = x_ref[0, 0, :]
    onehot = (xb[:, None] == lax.broadcasted_iota(jnp.int32, (_XBLK, _NODE_ROWS), 1))
    out_ref[:] = jnp.dot(onehot.astype(jnp.float32), nt_ref[:],
                         preferred_element_type=jnp.float32)


_x_emb_call = pl.pallas_call(
    _x_body,
    grid=(_XG,),
    in_specs=[
        pl.BlockSpec((1, 1, _XBLK), lambda i: (i, 0, 0)),
        pl.BlockSpec((_NODE_ROWS, _NODE_DIM), lambda i: (0, 0)),
    ],
    out_specs=pl.BlockSpec((_XBLK, _NODE_DIM), lambda i: (i, 0)),
    out_shape=jax.ShapeDtypeStruct((_N_NODES, _NODE_DIM), jnp.float32),
)


_mesh = plsc.VectorSubcoreMesh(core_axis_name="c", subcore_axis_name="s")


@functools.partial(
    pl.kernel,
    out_type=jax.ShapeDtypeStruct((_N_EDGES, _EDGE_DIM), jnp.float32),
    mesh=_mesh,
    scratch_types=(
        [pltpu.VMEM((_BE,), jnp.int32)]
        + [pltpu.VMEM((_CE, _EDGE_DIM), jnp.float32) for _ in range(_NBUF)]
        + [pltpu.SemaphoreType.DMA for _ in range(2 * _NBUF)]
        + [pltpu.VMEM_SHARED((_N_COMB, _EDGE_DIM), jnp.float32)]
    ),
)
def _sc_gather(e_hbm, comb_hbm, e_out, eidx_all, *rest):
    bufs = list(rest[:_NBUF])
    isems = list(rest[_NBUF:2 * _NBUF])
    osems = list(rest[2 * _NBUF:3 * _NBUF])
    comb_sh = rest[3 * _NBUF]
    wid = lax.axis_index("s") * _NC + lax.axis_index("c")
    sid = lax.axis_index("s")

    cb = pl.multiple_of(sid * (_N_COMB // _NS), 8)
    stage = pltpu.async_copy(comb_hbm.at[pl.ds(cb, _N_COMB // _NS)],
                             comb_sh.at[pl.ds(cb, _N_COMB // _NS)], isems[0])
    ebase = pl.multiple_of(wid * _BE, 8)
    pltpu.sync_copy(e_hbm.at[pl.ds(ebase, _BE)], eidx_all)
    stage.wait()
    plsc.subcore_barrier()

    def gather_in(i, rows_v, sem):
        off = pl.multiple_of(i * _CE, 8)
        return pltpu.async_copy(comb_sh.at[eidx_all.at[pl.ds(off, _CE)]],
                                rows_v, sem)

    def copy_out(i, rows_v, sem):
        b = pl.multiple_of(ebase + i * _CE, 8)
        pltpu.async_copy(rows_v, e_out.at[pl.ds(b, _CE)], sem)

    def wait_out(rows_v, sem):
        pltpu.make_async_copy(rows_v, e_out.at[pl.ds(0, _CE)], sem).wait()

    hs = [gather_in(k, bufs[k], isems[k]) for k in range(_NBUF)]
    for k in range(_NBUF):
        hs[k].wait()
        copy_out(k, bufs[k], osems[k])

    def ring_body(g, carry):
        c0 = g * _NBUF
        hh = []
        for k in range(_NBUF):
            wait_out(bufs[k], osems[k])
            hh.append(gather_in(c0 + k, bufs[k], isems[k]))
        for k in range(_NBUF):
            hh[k].wait()
            copy_out(c0 + k, bufs[k], osems[k])
        return carry

    lax.fori_loop(1, _NCH // _NBUF, ring_body, 0)

    for k in range(_NBUF):
        wait_out(bufs[k], osems[k])


def kernel(x, e, node_table, edge_table, pos_table):
    combined = _build_combined(pos_table, edge_table)
    e_emb = _sc_gather(e.astype(jnp.int32), combined)
    x3 = x.astype(jnp.int32).reshape(_XG, 1, _XBLK)
    x_emb = _x_emb_call(x3, node_table)
    return (x_emb, e_emb)

# --- scband reference (transcript-rebuilt; emitter-appended) ---
"""Pipeline reference for scband-embedding-encoder-14448269984507 (READ-ONLY COPY).

The authoritative reference and input builder live on the scoring server;
editing this copy changes nothing except your own understanding.
"""

import jax, jax.numpy as jnp
import numpy as np

N_NODE_ATTR = 1000
N_EDGE_ATTR = 64
N_POS_ENC = 128
NODE_DIM = 256
EDGE_DIM = 128
N_NODES = 10000
N_EDGES = 320000


def setup_inputs(seed: int = 0) -> dict:
    key = jax.random.key(seed)
    k_x, k_e, k_nt, k_et, k_pt = jax.random.split(key, 5)
    x = jax.random.randint(k_x, (N_NODES,), 0, N_NODE_ATTR, dtype=jnp.int64 if jax.config.jax_enable_x64 else jnp.int32)
    # e encodes (pos_idx * n_edge_attr + edge_attr_idx), so values in [0, N_POS_ENC * N_EDGE_ATTR)
    e = jax.random.randint(k_e, (N_EDGES,), 0, N_POS_ENC * N_EDGE_ATTR, dtype=jnp.int64 if jax.config.jax_enable_x64 else jnp.int32)
    node_table = jax.random.normal(k_nt, (N_NODE_ATTR, NODE_DIM), dtype=jnp.float32)
    edge_table = jax.random.normal(k_et, (N_EDGE_ATTR, EDGE_DIM), dtype=jnp.float32)
    pos_table = jax.random.normal(k_pt, (N_POS_ENC, EDGE_DIM), dtype=jnp.float32)
    return {"x": x, "e": e, "node_table": node_table, "edge_table": edge_table, "pos_table": pos_table}


def reference(x, e, node_table, edge_table, pos_table):
    # node embedding lookup
    x_emb = jnp.take(node_table, x, axis=0)
    # n_pos_enc > 0 branch: split combined edge code into positional + attribute parts
    pos_idx = e // N_EDGE_ATTR
    attr_idx = e % N_EDGE_ATTR
    p = jnp.take(pos_table, pos_idx, axis=0)
    e_emb = jnp.take(edge_table, attr_idx, axis=0)
    e_emb = e_emb + p
    return (x_emb, e_emb)

if __name__ == "__main__":
    import jax
    _d = setup_inputs()
    print(jax.jit(kernel)(*tuple(_d.values())))

</pallas_src>

<mosaic_0001>
#map = affine_map<(d0, d1) -> (0)>
#map1 = affine_map<(d0, d1) -> (0, 0)>
module attributes {stable_mosaic.version = 14 : i64} {
  func.func @_sc_gather(%arg0: i32, %arg1: i32, %arg2: memref<320000xi32, #tpu.memory_space<hbm>>, %arg3: memref<8192x128xf32, #tpu.memory_space<hbm>>, %arg4: memref<320000x128xf32, #tpu.memory_space<hbm>>, %arg5: memref<10000xi32, #tpu.memory_space<vmem>>, %arg6: memref<80x128xf32, #tpu.memory_space<vmem>>, %arg7: memref<80x128xf32, #tpu.memory_space<vmem>>, %arg8: memref<80x128xf32, #tpu.memory_space<vmem>>, %arg9: memref<80x128xf32, #tpu.memory_space<vmem>>, %arg10: memref<80x128xf32, #tpu.memory_space<vmem>>, %arg11: memref<!tpu.dma_semaphore, #tpu.memory_space<semaphore_mem>>, %arg12: memref<!tpu.dma_semaphore, #tpu.memory_space<semaphore_mem>>, %arg13: memref<!tpu.dma_semaphore, #tpu.memory_space<semaphore_mem>>, %arg14: memref<!tpu.dma_semaphore, #tpu.memory_space<semaphore_mem>>, %arg15: memref<!tpu.dma_semaphore, #tpu.memory_space<semaphore_mem>>, %arg16: memref<!tpu.dma_semaphore, #tpu.memory_space<semaphore_mem>>, %arg17: memref<!tpu.dma_semaphore, #tpu.memory_space<semaphore_mem>>, %arg18: memref<!tpu.dma_semaphore, #tpu.memory_space<semaphore_mem>>, %arg19: memref<!tpu.dma_semaphore, #tpu.memory_space<semaphore_mem>>, %arg20: memref<!tpu.dma_semaphore, #tpu.memory_space<semaphore_mem>>, %arg21: memref<8192x128xf32, #tpu.memory_space<vmem_shared>>) attributes {dimension_semantics = [#tpu.dimension_semantics<core_parallel>, #tpu.dimension_semantics<subcore_parallel>], iteration_bounds = array<i64: 2, 16>, scalar_prefetch = 0 : i64, scratch_operands = 17 : i64, tpu.core_type = #tpu.core_type<sc_vector_subcore>, window_params = [{transform_indices = #map}, {transform_indices = #map1}, {transform_indices = #map1}]} {
    %mul3A = arith.constant 2 : i32
    %mul3A_0 = arith.muli %arg1, %mul3A : i32
    %add3A = arith.addi %mul3A_0, %arg0 : i32
    %mul3A_1 = arith.constant 512 : i32
    %mul3A_2 = arith.muli %arg1, %mul3A_1 : i32
    %multiple_of3A = tpu.assume_multiple %mul3A_2, 8 : i32
    %dma_start3A = arith.constant 0 : i32
    %dma_start3A_3 = tpu.memref_slice %arg21[%multiple_of3A, %dma_start3A] : memref<8192x128xf32, #tpu.memory_space<vmem_shared>> -> memref<512x128xf32, #tpu.memory_space<vmem_shared>>
    %dma_start3A_4 = arith.constant 0 : i32
    %dma_start3A_5 = tpu.memref_slice %arg3[%multiple_of3A, %dma_start3A_4] : memref<8192x128xf32, #tpu.memory_space<hbm>> -> memref<512x128xf32, #tpu.memory_space<hbm>>
    tpu.enqueue_dma source(%dma_start3A_5 : memref<512x128xf32, #tpu.memory_space<hbm>>) target(%dma_start3A_3 : memref<512x128xf32, #tpu.memory_space<vmem_shared>>) target_semaphore(%arg11 : memref<!tpu.dma_semaphore, #tpu.memory_space<semaphore_mem>>)
    %mul3A_6 = arith.constant 10000 : i32
    %mul3A_7 = arith.muli %add3A, %mul3A_6 : i32
    %multiple_of3A_8 = tpu.assume_multiple %mul3A_7, 8 : i32
    "tpu.region"() ({
      %run_scoped3A = tpu.sem_alloc : memref<!tpu.dma_semaphore, #tpu.memory_space<semaphore_mem>>
      %dma_start3A_132 = tpu.memref_slice %arg2[%multiple_of3A_8] : memref<320000xi32, #tpu.memory_space<hbm>> -> memref<10000xi32, #tpu.memory_space<hbm>>
      %dma_start3A_133 = tpu.memref_slice %arg2[%multiple_of3A_8] : memref<320000xi32, #tpu.memory_space<hbm>> -> memref<10000xi32, #tpu.memory_space<hbm>>
      tpu.enqueue_dma source(%dma_start3A_133 : memref<10000xi32, #tpu.memory_space<hbm>>) target(%arg5 : memref<10000xi32, #tpu.memory_space<vmem>>) target_semaphore(%run_scoped3A : memref<!tpu.dma_semaphore, #tpu.memory_space<semaphore_mem>>)
      %dma_wait3A_134 = tpu.memref_slice %arg2[%multiple_of3A_8] : memref<320000xi32, #tpu.memory_space<hbm>> -> memref<10000xi32, #tpu.memory_space<hbm>>
      %dma_wait3A_135 = tpu.memref_slice %arg2[%multiple_of3A_8] : memref<320000xi32, #tpu.memory_space<hbm>> -> memref<10000xi32, #tpu.memory_space<hbm>>
      tpu.wait_dma2 semaphore(%run_scoped3A : memref<!tpu.dma_semaphore, #tpu.memory_space<semaphore_mem>>) src(%dma_wait3A_135 : memref<10000xi32, #tpu.memory_space<hbm>>) dst(%arg5 : memref<10000xi32, #tpu.memory_space<vmem>>)
      tpu.yield
    }) : () -> ()
    %dma_wait3A = arith.constant 0 : i32
    %dma_wait3A_9 = tpu.memref_slice %arg21[%multiple_of3A, %dma_wait3A] : memref<8192x128xf32, #tpu.memory_space<vmem_shared>> -> memref<512x128xf32, #tpu.memory_space<vmem_shared>>
    %dma_wait3A_10 = arith.constant 0 : i32
    %dma_wait3A_11 = tpu.memref_slice %arg3[%multiple_of3A, %dma_wait3A_10] : memref<8192x128xf32, #tpu.memory_space<hbm>> -> memref<512x128xf32, #tpu.memory_space<hbm>>
    tpu.wait_dma2 semaphore(%arg11 : memref<!tpu.dma_semaphore, #tpu.memory_space<semaphore_mem>>) src(%dma_wait3A_11 : memref<512x128xf32, #tpu.memory_space<hbm>>) dst(%dma_wait3A_9 : memref<512x128xf32, #tpu.memory_space<vmem_shared>>)
    %barrier3A = arith.constant 0 : index
    tpu.barrier barrier_id(%barrier3A)
    %multiple_of3A_12 = arith.constant 0 : i32
    %multiple_of3A_13 = tpu.assume_multiple %multiple_of3A_12, 8 : i32
    %dma_start3A_14 = tpu.memref_slice %arg5[%multiple_of3A_13] : memref<10000xi32, #tpu.memory_space<vmem>> -> memref<80xi32, #tpu.memory_space<vmem>>
    %dma_start3A_15 = arith.constant 0 : i32
    %dma_start3A_16 = arith.constant 0 : i32
    %dma_start3A_17 = tpu.memref_slice %arg21[%dma_start3A_15, %dma_start3A_16] : memref<8192x128xf32, #tpu.memory_space<vmem_shared>> -> memref<8192x128xf32, #tpu.memory_space<vmem_shared>>
    tpu.enqueue_indirect_dma source(%dma_start3A_17 : memref<8192x128xf32, #tpu.memory_space<vmem_shared>>) target(%arg6 : memref<80x128xf32, #tpu.memory_space<vmem>>) offsets(%dma_start3A_14 : memref<80xi32, #tpu.memory_space<vmem>>) semaphore(%arg11 : memref<!tpu.dma_semaphore, #tpu.memory_space<semaphore_mem>>)
    %multiple_of3A_18 = arith.constant 80 : i32
    %multiple_of3A_19 = tpu.assume_multiple %multiple_of3A_18, 8 : i32
    %dma_start3A_20 = tpu.memref_slice %arg5[%multiple_of3A_19] : memref<10000xi32, #tpu.memory_space<vmem>> -> memref<80xi32, #tpu.memory_space<vmem>>
    %dma_start3A_21 = arith.constant 0 : i32
    %dma_start3A_22 = arith.constant 0 : i32
    %dma_start3A_23 = tpu.memref_slice %arg21[%dma_start3A_21, %dma_start3A_22] : memref<8192x128xf32, #tpu.memory_space<vmem_shared>> -> memref<8192x128xf32, #tpu.memory_space<vmem_shared>>
    tpu.enqueue_indirect_dma source(%dma_start3A_23 : memref<8192x128xf32, #tpu.memory_space<vmem_shared>>) target(%arg7 : memref<80x128xf32, #tpu.memory_space<vmem>>) offsets(%dma_start3A_20 : memref<80xi32, #tpu.memory_space<vmem>>) semaphore(%arg12 : memref<!tpu.dma_semaphore, #tpu.memory_space<semaphore_mem>>)
    %multiple_of3A_24 = arith.constant 160 : i32
    %multiple_of3A_25 = tpu.assume_multiple %multiple_of3A_24, 8 : i32
    %dma_start3A_26 = tpu.memref_slice %arg5[%multiple_of3A_25] : memref<10000xi32, #tpu.memory_space<vmem>> -> memref<80xi32, #tpu.memory_space<vmem>>
    %dma_start3A_27 = arith.constant 0 : i32
    %dma_start3A_28 = arith.constant 0 : i32
    %dma_start3A_29 = tpu.memref_slice %arg21[%dma_start3A_27, %dma_start3A_28] : memref<8192x128xf32, #tpu.memory_space<vmem_shared>> -> memref<8192x128xf32, #tpu.memory_space<vmem_shared>>
    tpu.enqueue_indirect_dma source(%dma_start3A_29 : memref<8192x128xf32, #tpu.memory_space<vmem_shared>>) target(%arg8 : memref<80x128xf32, #tpu.memory_space<vmem>>) offsets(%dma_start3A_26 : memref<80xi32, #tpu.memory_space<vmem>>) semaphore(%arg13 : memref<!tpu.dma_semaphore, #tpu.memory_space<semaphore_mem>>)
    %multiple_of3A_30 = arith.constant 240 : i32
    %multiple_of3A_31 = tpu.assume_multiple %multiple_of3A_30, 8 : i32
    %dma_start3A_32 = tpu.memref_slice %arg5[%multiple_of3A_31] : memref<10000xi32, #tpu.memory_space<vmem>> -> memref<80xi32, #tpu.memory_space<vmem>>
    %dma_start3A_33 = arith.constant 0 : i32
    %dma_start3A_34 = arith.constant 0 : i32
    %dma_start3A_35 = tpu.memref_slice %arg21[%dma_start3A_33, %dma_start3A_34] : memref<8192x128xf32, #tpu.memory_space<vmem_shared>> -> memref<8192x128xf32, #tpu.memory_space<vmem_shared>>
    tpu.enqueue_indirect_dma source(%dma_start3A_35 : memref<8192x128xf32, #tpu.memory_space<vmem_shared>>) target(%arg9 : memref<80x128xf32, #tpu.memory_space<vmem>>) offsets(%dma_start3A_32 : memref<80xi32, #tpu.memory_space<vmem>>) semaphore(%arg14 : memref<!tpu.dma_semaphore, #tpu.memory_space<semaphore_mem>>)
    %multiple_of3A_36 = arith.constant 320 : i32
    %multiple_of3A_37 = tpu.assume_multiple %multiple_of3A_36, 8 : i32
    %dma_start3A_38 = tpu.memref_slice %arg5[%multiple_of3A_37] : memref<10000xi32, #tpu.memory_space<vmem>> -> memref<80xi32, #tpu.memory_space<vmem>>
    %dma_start3A_39 = arith.constant 0 : i32
    %dma_start3A_40 = arith.constant 0 : i32
    %dma_start3A_41 = tpu.memref_slice %arg21[%dma_start3A_39, %dma_start3A_40] : memref<8192x128xf32, #tpu.memory_space<vmem_shared>> -> memref<8192x128xf32, #tpu.memory_space<vmem_shared>>
    tpu.enqueue_indirect_dma source(%dma_start3A_41 : memref<8192x128xf32, #tpu.memory_space<vmem_shared>>) target(%arg10 : memref<80x128xf32, #tpu.memory_space<vmem>>) offsets(%dma_start3A_38 : memref<80xi32, #tpu.memory_space<vmem>>) semaphore(%arg15 : memref<!tpu.dma_semaphore, #tpu.memory_space<semaphore_mem>>)
    %dma_wait3A_42 = tpu.memref_slice %arg5[%multiple_of3A_13] : memref<10000xi32, #tpu.memory_space<vmem>> -> memref<80xi32, #tpu.memory_space<vmem>>
    %dma_wait3A_43 = arith.constant 0 : i32
    %dma_wait3A_44 = arith.constant 0 : i32
    %dma_wait3A_45 = tpu.memref_slice %arg21[%dma_wait3A_43, %dma_wait3A_44] : memref<8192x128xf32, #tpu.memory_space<vmem_shared>> -> memref<8192x128xf32, #tpu.memory_space<vmem_shared>>
    tpu.wait_indirect_dma semaphore(%arg11 : memref<!tpu.dma_semaphore, #tpu.memory_space<semaphore_mem>>) src(%dma_wait3A_45 : memref<8192x128xf32, #tpu.memory_space<vmem_shared>>) dst(%arg6 : memref<80x128xf32, #tpu.memory_space<vmem>>)
    %add3A_46 = arith.constant 0 : i32
    %add3A_47 = arith.addi %multiple_of3A_8, %add3A_46 : i32
    %multiple_of3A_48 = tpu.assume_multiple %add3A_47, 8 : i32
    %dma_start3A_49 = arith.constant 0 : i32
    %dma_start3A_50 = tpu.memref_slice %arg4[%multiple_of3A_48, %dma_start3A_49] : memref<320000x128xf32, #tpu.memory_space<hbm>> -> memref<80x128xf32, #tpu.memory_space<hbm>>
    %dma_start3A_51 = arith.constant 0 : i32
    %dma_start3A_52 = tpu.memref_slice %arg4[%multiple_of3A_48, %dma_start3A_51] : memref<320000x128xf32, #tpu.memory_space<hbm>> -> memref<80x128xf32, #tpu.memory_space<hbm>>
    tpu.enqueue_dma source(%arg6 : memref<80x128xf32, #tpu.memory_space<vmem>>) target(%dma_start3A_52 : memref<80x128xf32, #tpu.memory_space<hbm>>) target_semaphore(%arg16 : memref<!tpu.dma_semaphore, #tpu.memory_space<semaphore_mem>>)
    %dma_wait3A_53 = tpu.memref_slice %arg5[%multiple_of3A_19] : memref<10000xi32, #tpu.memory_space<vmem>> -> memref<80xi32, #tpu.memory_space<vmem>>
    %dma_wait3A_54 = arith.constant 0 : i32
    %dma_wait3A_55 = arith.constant 0 : i32
    %dma_wait3A_56 = tpu.memref_slice %arg21[%dma_wait3A_54, %dma_wait3A_55] : memref<8192x128xf32, #tpu.memory_space<vmem_shared>> -> memref<8192x128xf32, #tpu.memory_space<vmem_shared>>
    tpu.wait_indirect_dma semaphore(%arg12 : memref<!tpu.dma_semaphore, #tpu.memory_space<semaphore_mem>>) src(%dma_wait3A_56 : memref<8192x128xf32, #tpu.memory_space<vmem_shared>>) dst(%arg7 : memref<80x128xf32, #tpu.memory_space<vmem>>)
    %add3A_57 = arith.constant 80 : i32
    %add3A_58 = arith.addi %multiple_of3A_8, %add3A_57 : i32
    %multiple_of3A_59 = tpu.assume_multiple %add3A_58, 8 : i32
    %dma_start3A_60 = arith.constant 0 : i32
    %dma_start3A_61 = tpu.memref_slice %arg4[%multiple_of3A_59, %dma_start3A_60] : memref<320000x128xf32, #tpu.memory_space<hbm>> -> memref<80x128xf32, #tpu.memory_space<hbm>>
    %dma_start3A_62 = arith.constant 0 : i32
    %dma_start3A_63 = tpu.memref_slice %arg4[%multiple_of3A_59, %dma_start3A_62] : memref<320000x128xf32, #tpu.memory_space<hbm>> -> memref<80x128xf32, #tpu.memory_space<hbm>>
    tpu.enqueue_dma source(%arg7 : memref<80x128xf32, #tpu.memory_space<vmem>>) target(%dma_start3A_63 : memref<80x128xf32, #tpu.memory_space<hbm>>) target_semaphore(%arg17 : memref<!tpu.dma_semaphore, #tpu.memory_space<semaphore_mem>>)
    %dma_wait3A_64 = tpu.memref_slice %arg5[%multiple_of3A_25] : memref<10000xi32, #tpu.memory_space<vmem>> -> memref<80xi32, #tpu.memory_space<vmem>>
    %dma_wait3A_65 = arith.constant 0 : i32
    %dma_wait3A_66 = arith.constant 0 : i32
    %dma_wait3A_67 = tpu.memref_slice %arg21[%dma_wait3A_65, %dma_wait3A_66] : memref<8192x128xf32, #tpu.memory_space<vmem_shared>> -> memref<8192x128xf32, #tpu.memory_space<vmem_shared>>
    tpu.wait_indirect_dma semaphore(%arg13 : memref<!tpu.dma_semaphore, #tpu.memory_space<semaphore_mem>>) src(%dma_wait3A_67 : memref<8192x128xf32, #tpu.memory_space<vmem_shared>>) dst(%arg8 : memref<80x128xf32, #tpu.memory_space<vmem>>)
    %add3A_68 = arith.constant 160 : i32
    %add3A_69 = arith.addi %multiple_of3A_8, %add3A_68 : i32
    %multiple_of3A_70 = tpu.assume_multiple %add3A_69, 8 : i32
    %dma_start3A_71 = arith.constant 0 : i32
    %dma_start3A_72 = tpu.memref_slice %arg4[%multiple_of3A_70, %dma_start3A_71] : memref<320000x128xf32, #tpu.memory_space<hbm>> -> memref<80x128xf32, #tpu.memory_space<hbm>>
    %dma_start3A_73 = arith.constant 0 : i32
    %dma_start3A_74 = tpu.memref_slice %arg4[%multiple_of3A_70, %dma_start3A_73] : memref<320000x128xf32, #tpu.memory_space<hbm>> -> memref<80x128xf32, #tpu.memory_space<hbm>>
    tpu.enqueue_dma source(%arg8 : memref<80x128xf32, #tpu.memory_space<vmem>>) target(%dma_start3A_74 : memref<80x128xf32, #tpu.memory_space<hbm>>) target_semaphore(%arg18 : memref<!tpu.dma_semaphore, #tpu.memory_space<semaphore_mem>>)
    %dma_wait3A_75 = tpu.memref_slice %arg5[%multiple_of3A_31] : memref<10000xi32, #tpu.memory_space<vmem>> -> memref<80xi32, #tpu.memory_space<vmem>>
    %dma_wait3A_76 = arith.constant 0 : i32
    %dma_wait3A_77 = arith.constant 0 : i32
    %dma_wait3A_78 = tpu.memref_slice %arg21[%dma_wait3A_76, %dma_wait3A_77] : memref<8192x128xf32, #tpu.memory_space<vmem_shared>> -> memref<8192x128xf32, #tpu.memory_space<vmem_shared>>
    tpu.wait_indirect_dma semaphore(%arg14 : memref<!tpu.dma_semaphore, #tpu.memory_space<semaphore_mem>>) src(%dma_wait3A_78 : memref<8192x128xf32, #tpu.memory_space<vmem_shared>>) dst(%arg9 : memref<80x128xf32, #tpu.memory_space<vmem>>)
    %add3A_79 = arith.constant 240 : i32
    %add3A_80 = arith.addi %multiple_of3A_8, %add3A_79 : i32
    %multiple_of3A_81 = tpu.assume_multiple %add3A_80, 8 : i32
    %dma_start3A_82 = arith.constant 0 : i32
    %dma_start3A_83 = tpu.memref_slice %arg4[%multiple_of3A_81, %dma_start3A_82] : memref<320000x128xf32, #tpu.memory_space<hbm>> -> memref<80x128xf32, #tpu.memory_space<hbm>>
    %dma_start3A_84 = arith.constant 0 : i32
    %dma_start3A_85 = tpu.memref_slice %arg4[%multiple_of3A_81, %dma_start3A_84] : memref<320000x128xf32, #tpu.memory_space<hbm>> -> memref<80x128xf32, #tpu.memory_space<hbm>>
    tpu.enqueue_dma source(%arg9 : memref<80x128xf32, #tpu.memory_space<vmem>>) target(%dma_start3A_85 : memref<80x128xf32, #tpu.memory_space<hbm>>) target_semaphore(%arg19 : memref<!tpu.dma_semaphore, #tpu.memory_space<semaphore_mem>>)
    %dma_wait3A_86 = tpu.memref_slice %arg5[%multiple_of3A_37] : memref<10000xi32, #tpu.memory_space<vmem>> -> memref<80xi32, #tpu.memory_space<vmem>>
    %dma_wait3A_87 = arith.constant 0 : i32
    %dma_wait3A_88 = arith.constant 0 : i32
    %dma_wait3A_89 = tpu.memref_slice %arg21[%dma_wait3A_87, %dma_wait3A_88] : memref<8192x128xf32, #tpu.memory_space<vmem_shared>> -> memref<8192x128xf32, #tpu.memory_space<vmem_shared>>
    tpu.wait_indirect_dma semaphore(%arg15 : memref<!tpu.dma_semaphore, #tpu.memory_space<semaphore_mem>>) src(%dma_wait3A_89 : memref<8192x128xf32, #tpu.memory_space<vmem_shared>>) dst(%arg10 : memref<80x128xf32, #tpu.memory_space<vmem>>)
    %add3A_90 = arith.constant 320 : i32
    %add3A_91 = arith.addi %multiple_of3A_8, %add3A_90 : i32
    %multiple_of3A_92 = tpu.assume_multiple %add3A_91, 8 : i32
    %dma_start3A_93 = arith.constant 0 : i32
    %dma_start3A_94 = tpu.memref_slice %arg4[%multiple_of3A_92, %dma_start3A_93] : memref<320000x128xf32, #tpu.memory_space<hbm>> -> memref<80x128xf32, #tpu.memory_space<hbm>>
    %dma_start3A_95 = arith.constant 0 : i32
    %dma_start3A_96 = tpu.memref_slice %arg4[%multiple_of3A_92, %dma_start3A_95] : memref<320000x128xf32, #tpu.memory_space<hbm>> -> memref<80x128xf32, #tpu.memory_space<hbm>>
    tpu.enqueue_dma source(%arg10 : memref<80x128xf32, #tpu.memory_space<vmem>>) target(%dma_start3A_96 : memref<80x128xf32, #tpu.memory_space<hbm>>) target_semaphore(%arg20 : memref<!tpu.dma_semaphore, #tpu.memory_space<semaphore_mem>>)
    %scan3A = arith.constant 0 : i32
    %scan3A_97 = arith.constant 1 : i32
    %scan3A_98 = arith.constant 24 : i32
    %scan3A_99 = arith.addi %scan3A_97, %scan3A_98 : i32
    %scan3A_100 = arith.constant 1 : i32
    scf.for %scan3A_132 = %scan3A_97 to %scan3A_99 step %scan3A_100  : i32 {
      %mul3A_133 = arith.constant 5 : i32
      %mul3A_134 = arith.muli %scan3A_132, %mul3A_133 : i32
      %dma_wait3A_135 = arith.constant 0 : i32
      %dma_wait3A_136 = arith.constant 0 : i32
      %dma_wait3A_137 = tpu.memref_slice %arg4[%dma_wait3A_135, %dma_wait3A_136] : memref<320000x128xf32, #tpu.memory_space<hbm>> -> memref<80x128xf32, #tpu.memory_space<hbm>>
      %dma_wait3A_138 = arith.constant 0 : i32
      %dma_wait3A_139 = arith.constant 0 : i32
      %dma_wait3A_140 = tpu.memref_slice %arg4[%dma_wait3A_138, %dma_wait3A_139] : memref<320000x128xf32, #tpu.memory_space<hbm>> -> memref<80x128xf32, #tpu.memory_space<hbm>>
      tpu.wait_dma2 semaphore(%arg16 : memref<!tpu.dma_semaphore, #tpu.memory_space<semaphore_mem>>) src(%arg6 : memref<80x128xf32, #tpu.memory_space<vmem>>) dst(%dma_wait3A_140 : memref<80x128xf32, #tpu.memory_space<hbm>>)
      %add3A_141 = arith.constant 0 : i32
      %add3A_142 = arith.addi %mul3A_134, %add3A_141 : i32
      %mul3A_143 = arith.constant 80 : i32
      %mul3A_144 = arith.muli %add3A_142, %mul3A_143 : i32
      %multiple_of3A_145 = tpu.assume_multiple %mul3A_144, 8 : i32
      %dma_start3A_146 = tpu.memref_slice %arg5[%multiple_of3A_145] : memref<10000xi32, #tpu.memory_space<vmem>> -> memref<80xi32, #tpu.memory_space<vmem>>
      %dma_start3A_147 = arith.constant 0 : i32
      %dma_start3A_148 = arith.constant 0 : i32
      %dma_start3A_149 = tpu.memref_slice %arg21[%dma_start3A_147, %dma_start3A_148] : memref<8192x128xf32, #tpu.memory_space<vmem_shared>> -> memref<8192x128xf32, #tpu.memory_space<vmem_shared>>
      tpu.enqueue_indirect_dma source(%dma_start3A_149 : memref<8192x128xf32, #tpu.memory_space<vmem_shared>>) target(%arg6 : memref<80x128xf32, #tpu.memory_space<vmem>>) offsets(%dma_start3A_146 : memref<80xi32, #tpu.memory_space<vmem>>) semaphore(%arg11 : memref<!tpu.dma_semaphore, #tpu.memory_space<semaphore_mem>>)
      %dma_wait3A_150 = arith.constant 0 : i32
      %dma_wait3A_151 = arith.constant 0 : i32
      %dma_wait3A_152 = tpu.memref_slice %arg4[%dma_wait3A_150, %dma_wait3A_151] : memref<320000x128xf32, #tpu.memory_space<hbm>> -> memref<80x128xf32, #tpu.memory_space<hbm>>
      %dma_wait3A_153 = arith.constant 0 : i32
      %dma_wait3A_154 = arith.constant 0 : i32
      %dma_wait3A_155 = tpu.memref_slice %arg4[%dma_wait3A_153, %dma_wait3A_154] : memref<320000x128xf32, #tpu.memory_space<hbm>> -> memref<80x128xf32, #tpu.memory_space<hbm>>
      tpu.wait_dma2 semaphore(%arg17 : memref<!tpu.dma_semaphore, #tpu.memory_space<semaphore_mem>>) src(%arg7 : memref<80x128xf32, #tpu.memory_space<vmem>>) dst(%dma_wait3A_155 : memref<80x128xf32, #tpu.memory_space<hbm>>)
      %add3A_156 = arith.constant 1 : i32
      %add3A_157 = arith.addi %mul3A_134, %add3A_156 : i32
      %mul3A_158 = arith.constant 80 : i32
      %mul3A_159 = arith.muli %add3A_157, %mul3A_158 : i32
      %multiple_of3A_160 = tpu.assume_multiple %mul3A_159, 8 : i32
      %dma_start3A_161 = tpu.memref_slice %arg5[%multiple_of3A_160] : memref<10000xi32, #tpu.memory_space<vmem>> -> memref<80xi32, #tpu.memory_space<vmem>>
      %dma_start3A_162 = arith.constant 0 : i32
      %dma_start3A_163 = arith.constant 0 : i32
      %dma_start3A_164 = tpu.memref_slice %arg21[%dma_start3A_162, %dma_start3A_163] : memref<8192x128xf32, #tpu.memory_space<vmem_shared>> -> memref<8192x128xf32, #tpu.memory_space<vmem_shared>>
      tpu.enqueue_indirect_dma source(%dma_start3A_164 : memref<8192x128xf32, #tpu.memory_space<vmem_shared>>) target(%arg7 : memref<80x128xf32, #tpu.memory_space<vmem>>) offsets(%dma_start3A_161 : memref<80xi32, #tpu.memory_space<vmem>>) semaphore(%arg12 : memref<!tpu.dma_semaphore, #tpu.memory_space<semaphore_mem>>)
      %dma_wait3A_165 = arith.constant 0 : i32
      %dma_wait3A_166 = arith.constant 0 : i32
      %dma_wait3A_167 = tpu.memref_slice %arg4[%dma_wait3A_165, %dma_wait3A_166] : memref<320000x128xf32, #tpu.memory_space<hbm>> -> memref<80x128xf32, #tpu.memory_space<hbm>>
      %dma_wait3A_168 = arith.constant 0 : i32
      %dma_wait3A_169 = arith.constant 0 : i32
      %dma_wait3A_170 = tpu.memref_slice %arg4[%dma_wait3A_168, %dma_wait3A_169] : memref<320000x128xf32, #tpu.memory_space<hbm>> -> memref<80x128xf32, #tpu.memory_space<hbm>>
      tpu.wait_dma2 semaphore(%arg18 : memref<!tpu.dma_semaphore, #tpu.memory_space<semaphore_mem>>) src(%arg8 : memref<80x128xf32, #tpu.memory_space<vmem>>) dst(%dma_wait3A_170 : memref<80x128xf32, #tpu.memory_space<hbm>>)
      %add3A_171 = arith.constant 2 : i32
      %add3A_172 = arith.addi %mul3A_134, %add3A_171 : i32
      %mul3A_173 = arith.constant 80 : i32
      %mul3A_174 = arith.muli %add3A_172, %mul3A_173 : i32
      %multiple_of3A_175 = tpu.assume_multiple %mul3A_174, 8 : i32
      %dma_start3A_176 = tpu.memref_slice %arg5[%multiple_of3A_175] : memref<10000xi32, #tpu.memory_space<vmem>> -> memref<80xi32, #tpu.memory_space<vmem>>
      %dma_start3A_177 = arith.constant 0 : i32
      %dma_start3A_178 = arith.constant 0 : i32
      %dma_start3A_179 = tpu.memref_slice %arg21[%dma_start3A_177, %dma_start3A_178] : memref<8192x128xf32, #tpu.memory_space<vmem_shared>> -> memref<8192x128xf32, #tpu.memory_space<vmem_shared>>
      tpu.enqueue_indirect_dma source(%dma_start3A_179 : memref<8192x128xf32, #tpu.memory_space<vmem_shared>>) target(%arg8 : memref<80x128xf32, #tpu.memory_space<vmem>>) offsets(%dma_start3A_176 : memref<80xi32, #tpu.memory_space<vmem>>) semaphore(%arg13 : memref<!tpu.dma_semaphore, #tpu.memory_space<semaphore_mem>>)
      %dma_wait3A_180 = arith.constant 0 : i32
      %dma_wait3A_181 = arith.constant 0 : i32
      %dma_wait3A_182 = tpu.memref_slice %arg4[%dma_wait3A_180, %dma_wait3A_181] : memref<320000x128xf32, #tpu.memory_space<hbm>> -> memref<80x128xf32, #tpu.memory_space<hbm>>
      %dma_wait3A_183 = arith.constant 0 : i32
      %dma_wait3A_184 = arith.constant 0 : i32
      %dma_wait3A_185 = tpu.memref_slice %arg4[%dma_wait3A_183, %dma_wait3A_184] : memref<320000x128xf32, #tpu.memory_space<hbm>> -> memref<80x128xf32, #tpu.memory_space<hbm>>
      tpu.wait_dma2 semaphore(%arg19 : memref<!tpu.dma_semaphore, #tpu.memory_space<semaphore_mem>>) src(%arg9 : memref<80x128xf32, #tpu.memory_space<vmem>>) dst(%dma_wait3A_185 : memref<80x128xf32, #tpu.memory_space<hbm>>)
      %add3A_186 = arith.constant 3 : i32
      %add3A_187 = arith.addi %mul3A_134, %add3A_186 : i32
      %mul3A_188 = arith.constant 80 : i32
      %mul3A_189 = arith.muli %add3A_187, %mul3A_188 : i32
      %multiple_of3A_190 = tpu.assume_multiple %mul3A_189, 8 : i32
      %dma_start3A_191 = tpu.memref_slice %arg5[%multiple_of3A_190] : memref<10000xi32, #tpu.memory_space<vmem>> -> memref<80xi32, #tpu.memory_space<vmem>>
      %dma_start3A_192 = arith.constant 0 : i32
      %dma_start3A_193 = arith.constant 0 : i32
      %dma_start3A_194 = tpu.memref_slice %arg21[%dma_start3A_192, %dma_start3A_193] : memref<8192x128xf32, #tpu.memory_space<vmem_shared>> -> memref<8192x128xf32, #tpu.memory_space<vmem_shared>>
      tpu.enqueue_indirect_dma source(%dma_start3A_194 : memref<8192x128xf32, #tpu.memory_space<vmem_shared>>) target(%arg9 : memref<80x128xf32, #tpu.memory_space<vmem>>) offsets(%dma_start3A_191 : memref<80xi32, #tpu.memory_space<vmem>>) semaphore(%arg14 : memref<!tpu.dma_semaphore, #tpu.memory_space<semaphore_mem>>)
      %dma_wait3A_195 = arith.constant 0 : i32
      %dma_wait3A_196 = arith.constant 0 : i32
      %dma_wait3A_197 = tpu.memref_slice %arg4[%dma_wait3A_195, %dma_wait3A_196] : memref<320000x128xf32, #tpu.memory_space<hbm>> -> memref<80x128xf32, #tpu.memory_space<hbm>>
      %dma_wait3A_198 = arith.constant 0 : i32
      %dma_wait3A_199 = arith.constant 0 : i32
      %dma_wait3A_200 = tpu.memref_slice %arg4[%dma_wait3A_198, %dma_wait3A_199] : memref<320000x128xf32, #tpu.memory_space<hbm>> -> memref<80x128xf32, #tpu.memory_space<hbm>>
      tpu.wait_dma2 semaphore(%arg20 : memref<!tpu.dma_semaphore, #tpu.memory_space<semaphore_mem>>) src(%arg10 : memref<80x128xf32, #tpu.memory_space<vmem>>) dst(%dma_wait3A_200 : memref<80x128xf32, #tpu.memory_space<hbm>>)
      %add3A_201 = arith.constant 4 : i32
      %add3A_202 = arith.addi %mul3A_134, %add3A_201 : i32
      %mul3A_203 = arith.constant 80 : i32
      %mul3A_204 = arith.muli %add3A_202, %mul3A_203 : i32
      %multiple_of3A_205 = tpu.assume_multiple %mul3A_204, 8 : i32
      %dma_start3A_206 = tpu.memref_slice %arg5[%multiple_of3A_205] : memref<10000xi32, #tpu.memory_space<vmem>> -> memref<80xi32, #tpu.memory_space<vmem>>
      %dma_start3A_207 = arith.constant 0 : i32
      %dma_start3A_208 = arith.constant 0 : i32
      %dma_start3A_209 = tpu.memref_slice %arg21[%dma_start3A_207, %dma_start3A_208] : memref<8192x128xf32, #tpu.memory_space<vmem_shared>> -> memref<8192x128xf32, #tpu.memory_space<vmem_shared>>
      tpu.enqueue_indirect_dma source(%dma_start3A_209 : memref<8192x128xf32, #tpu.memory_space<vmem_shared>>) target(%arg10 : memref<80x128xf32, #tpu.memory_space<vmem>>) offsets(%dma_start3A_206 : memref<80xi32, #tpu.memory_space<vmem>>) semaphore(%arg15 : memref<!tpu.dma_semaphore, #tpu.memory_space<semaphore_mem>>)
      %dma_wait3A_210 = tpu.memref_slice %arg5[%multiple_of3A_145] : memref<10000xi32, #tpu.memory_space<vmem>> -> memref<80xi32, #tpu.memory_space<vmem>>
      %dma_wait3A_211 = arith.constant 0 : i32
      %dma_wait3A_212 = arith.constant 0 : i32
      %dma_wait3A_213 = tpu.memref_slice %arg21[%dma_wait3A_211, %dma_wait3A_212] : memref<8192x128xf32, #tpu.memory_space<vmem_shared>> -> memref<8192x128xf32, #tpu.memory_space<vmem_shared>>
      tpu.wait_indirect_dma semaphore(%arg11 : memref<!tpu.dma_semaphore, #tpu.memory_space<semaphore_mem>>) src(%dma_wait3A_213 : memref<8192x128xf32, #tpu.memory_space<vmem_shared>>) dst(%arg6 : memref<80x128xf32, #tpu.memory_space<vmem>>)
      %add3A_214 = arith.constant 0 : i32
      %add3A_215 = arith.addi %mul3A_134, %add3A_214 : i32
      %mul3A_216 = arith.constant 80 : i32
      %mul3A_217 = arith.muli %add3A_215, %mul3A_216 : i32
      %add3A_218 = arith.addi %multiple_of3A_8, %mul3A_217 : i32
      %multiple_of3A_219 = tpu.assume_multiple %add3A_218, 8 : i32
      %dma_start3A_220 = arith.constant 0 : i32
      %dma_start3A_221 = tpu.memref_slice %arg4[%multiple_of3A_219, %dma_start3A_220] : memref<320000x128xf32, #tpu.memory_space<hbm>> -> memref<80x128xf32, #tpu.memory_space<hbm>>
      %dma_start3A_222 = arith.constant 0 : i32
      %dma_start3A_223 = tpu.memref_slice %arg4[%multiple_of3A_219, %dma_start3A_222] : memref<320000x128xf32, #tpu.memory_space<hbm>> -> memref<80x128xf32, #tpu.memory_space<hbm>>
      tpu.enqueue_dma source(%arg6 : memref<80x128xf32, #tpu.memory_space<vmem>>) target(%dma_start3A_223 : memref<80x128xf32, #tpu.memory_space<hbm>>) target_semaphore(%arg16 : memref<!tpu.dma_semaphore, #tpu.memory_space<semaphore_mem>>)
      %dma_wait3A_224 = tpu.memref_slice %arg5[%multiple_of3A_160] : memref<10000xi32, #tpu.memory_space<vmem>> -> memref<80xi32, #tpu.memory_space<vmem>>
      %dma_wait3A_225 = arith.constant 0 : i32
      %dma_wait3A_226 = arith.constant 0 : i32
      %dma_wait3A_227 = tpu.memref_slice %arg21[%dma_wait3A_225, %dma_wait3A_226] : memref<8192x128xf32, #tpu.memory_space<vmem_shared>> -> memref<8192x128xf32, #tpu.memory_space<vmem_shared>>
      tpu.wait_indirect_dma semaphore(%arg12 : memref<!tpu.dma_semaphore, #tpu.memory_space<semaphore_mem>>) src(%dma_wait3A_227 : memref<8192x128xf32, #tpu.memory_space<vmem_shared>>) dst(%arg7 : memref<80x128xf32, #tpu.memory_space<vmem>>)
      %add3A_228 = arith.constant 1 : i32
      %add3A_229 = arith.addi %mul3A_134, %add3A_228 : i32
      %mul3A_230 = arith.constant 80 : i32
      %mul3A_231 = arith.muli %add3A_229, %mul3A_230 : i32
      %add3A_232 = arith.addi %multiple_of3A_8, %mul3A_231 : i32
      %multiple_of3A_233 = tpu.assume_multiple %add3A_232, 8 : i32
      %dma_start3A_234 = arith.constant 0 : i32
      %dma_start3A_235 = tpu.memref_slice %arg4[%multiple_of3A_233, %dma_start3A_234] : memref<320000x128xf32, #tpu.memory_space<hbm>> -> memref<80x128xf32, #tpu.memory_space<hbm>>
      %dma_start3A_236 = arith.constant 0 : i32
      %dma_start3A_237 = tpu.memref_slice %arg4[%multiple_of3A_233, %dma_start3A_236] : memref<320000x128xf32, #tpu.memory_space<hbm>> -> memref<80x128xf32, #tpu.memory_space<hbm>>
      tpu.enqueue_dma source(%arg7 : memref<80x128xf32, #tpu.memory_space<vmem>>) target(%dma_start3A_237 : memref<80x128xf32, #tpu.memory_space<hbm>>) target_semaphore(%arg17 : memref<!tpu.dma_semaphore, #tpu.memory_space<semaphore_mem>>)
      %dma_wait3A_238 = tpu.memref_slice %arg5[%multiple_of3A_175] : memref<10000xi32, #tpu.memory_space<vmem>> -> memref<80xi32, #tpu.memory_space<vmem>>
      %dma_wait3A_239 = arith.constant 0 : i32
      %dma_wait3A_240 = arith.constant 0 : i32
      %dma_wait3A_241 = tpu.memref_slice %arg21[%dma_wait3A_239, %dma_wait3A_240] : memref<8192x128xf32, #tpu.memory_space<vmem_shared>> -> memref<8192x128xf32, #tpu.memory_space<vmem_shared>>
      tpu.wait_indirect_dma semaphore(%arg13 : memref<!tpu.dma_semaphore, #tpu.memory_space<semaphore_mem>>) src(%dma_wait3A_241 : memref<8192x128xf32, #tpu.memory_space<vmem_shared>>) dst(%arg8 : memref<80x128xf32, #tpu.memory_space<vmem>>)
      %add3A_242 = arith.constant 2 : i32
      %add3A_243 = arith.addi %mul3A_134, %add3A_242 : i32
      %mul3A_244 = arith.constant 80 : i32
      %mul3A_245 = arith.muli %add3A_243, %mul3A_244 : i32
      %add3A_246 = arith.addi %multiple_of3A_8, %mul3A_245 : i32
      %multiple_of3A_247 = tpu.assume_multiple %add3A_246, 8 : i32
      %dma_start3A_248 = arith.constant 0 : i32
      %dma_start3A_249 = tpu.memref_slice %arg4[%multiple_of3A_247, %dma_start3A_248] : memref<320000x128xf32, #tpu.memory_space<hbm>> -> memref<80x128xf32, #tpu.memory_space<hbm>>
      %dma_start3A_250 = arith.constant 0 : i32
      %dma_start3A_251 = tpu.memref_slice %arg4[%multiple_of3A_247, %dma_start3A_250] : memref<320000x128xf32, #tpu.memory_space<hbm>> -> memref<80x128xf32, #tpu.memory_space<hbm>>
      tpu.enqueue_dma source(%arg8 : memref<80x128xf32, #tpu.memory_space<vmem>>) target(%dma_start3A_251 : memref<80x128xf32, #tpu.memory_space<hbm>>) target_semaphore(%arg18 : memref<!tpu.dma_semaphore, #tpu.memory_space<semaphore_mem>>)
      %dma_wait3A_252 = tpu.memref_slice %arg5[%multiple_of3A_190] : memref<10000xi32, #tpu.memory_space<vmem>> -> memref<80xi32, #tpu.memory_space<vmem>>
      %dma_wait3A_253 = arith.constant 0 : i32
      %dma_wait3A_254 = arith.constant 0 : i32
      %dma_wait3A_255 = tpu.memref_slice %arg21[%dma_wait3A_253, %dma_wait3A_254] : memref<8192x128xf32, #tpu.memory_space<vmem_shared>> -> memref<8192x128xf32, #tpu.memory_space<vmem_shared>>
      tpu.wait_indirect_dma semaphore(%arg14 : memref<!tpu.dma_semaphore, #tpu.memory_space<semaphore_mem>>) src(%dma_wait3A_255 : memref<8192x128xf32, #tpu.memory_space<vmem_shared>>) dst(%arg9 : memref<80x128xf32, #tpu.memory_space<vmem>>)
      %add3A_256 = arith.constant 3 : i32
      %add3A_257 = arith.addi %mul3A_134, %add3A_256 : i32
      %mul3A_258 = arith.constant 80 : i32
      %mul3A_259 = arith.muli %add3A_257, %mul3A_258 : i32
      %add3A_260 = arith.addi %multiple_of3A_8, %mul3A_259 : i32
      %multiple_of3A_261 = tpu.assume_multiple %add3A_260, 8 : i32
      %dma_start3A_262 = arith.constant 0 : i32
      %dma_start3A_263 = tpu.memref_slice %arg4[%multiple_of3A_261, %dma_start3A_262] : memref<320000x128xf32, #tpu.memory_space<hbm>> -> memref<80x128xf32, #tpu.memory_space<hbm>>
      %dma_start3A_264 = arith.constant 0 : i32
      %dma_start3A_265 = tpu.memref_slice %arg4[%multiple_of3A_261, %dma_start3A_264] : memref<320000x128xf32, #tpu.memory_space<hbm>> -> memref<80x128xf32, #tpu.memory_space<hbm>>
      tpu.enqueue_dma source(%arg9 : memref<80x128xf32, #tpu.memory_space<vmem>>) target(%dma_start3A_265 : memref<80x128xf32, #tpu.memory_space<hbm>>) target_semaphore(%arg19 : memref<!tpu.dma_semaphore, #tpu.memory_space<semaphore_mem>>)
      %dma_wait3A_266 = tpu.memref_slice %arg5[%multiple_of3A_205] : memref<10000xi32, #tpu.memory_space<vmem>> -> memref<80xi32, #tpu.memory_space<vmem>>
      %dma_wait3A_267 = arith.constant 0 : i32
      %dma_wait3A_268 = arith.constant 0 : i32
      %dma_wait3A_269 = tpu.memref_slice %arg21[%dma_wait3A_267, %dma_wait3A_268] : memref<8192x128xf32, #tpu.memory_space<vmem_shared>> -> memref<8192x128xf32, #tpu.memory_space<vmem_shared>>
      tpu.wait_indirect_dma semaphore(%arg15 : memref<!tpu.dma_semaphore, #tpu.memory_space<semaphore_mem>>) src(%dma_wait3A_269 : memref<8192x128xf32, #tpu.memory_space<vmem_shared>>) dst(%arg10 : memref<80x128xf32, #tpu.memory_space<vmem>>)
      %add3A_270 = arith.constant 4 : i32
      %add3A_271 = arith.addi %mul3A_134, %add3A_270 : i32
      %mul3A_272 = arith.constant 80 : i32
      %mul3A_273 = arith.muli %add3A_271, %mul3A_272 : i32
      %add3A_274 = arith.addi %multiple_of3A_8, %mul3A_273 : i32
      %multiple_of3A_275 = tpu.assume_multiple %add3A_274, 8 : i32
      %dma_start3A_276 = arith.constant 0 : i32
      %dma_start3A_277 = tpu.memref_slice %arg4[%multiple_of3A_275, %dma_start3A_276] : memref<320000x128xf32, #tpu.memory_space<hbm>> -> memref<80x128xf32, #tpu.memory_space<hbm>>
      %dma_start3A_278 = arith.constant 0 : i32
      %dma_start3A_279 = tpu.memref_slice %arg4[%multiple_of3A_275, %dma_start3A_278] : memref<320000x128xf32, #tpu.memory_space<hbm>> -> memref<80x128xf32, #tpu.memory_space<hbm>>
      tpu.enqueue_dma source(%arg10 : memref<80x128xf32, #tpu.memory_space<vmem>>) target(%dma_start3A_279 : memref<80x128xf32, #tpu.memory_space<hbm>>) target_semaphore(%arg20 : memref<!tpu.dma_semaphore, #tpu.memory_space<semaphore_mem>>)
    }
    %scan3A_101 = arith.constant 24 : i32
    %dma_wait3A_102 = arith.constant 0 : i32
    %dma_wait3A_103 = arith.constant 0 : i32
    %dma_wait3A_104 = tpu.memref_slice %arg4[%dma_wait3A_102, %dma_wait3A_103] : memref<320000x128xf32, #tpu.memory_space<hbm>> -> memref<80x128xf32, #tpu.memory_space<hbm>>
    %dma_wait3A_105 = arith.constant 0 : i32
    %dma_wait3A_106 = arith.constant 0 : i32
    %dma_wait3A_107 = tpu.memref_slice %arg4[%dma_wait3A_105, %dma_wait3A_106] : memref<320000x128xf32, #tpu.memory_space<hbm>> -> memref<80x128xf32, #tpu.memory_space<hbm>>
    tpu.wait_dma2 semaphore(%arg16 : memref<!tpu.dma_semaphore, #tpu.memory_space<semaphore_mem>>) src(%arg6 : memref<80x128xf32, #tpu.memory_space<vmem>>) dst(%dma_wait3A_107 : memref<80x128xf32, #tpu.memory_space<hbm>>)
    %dma_wait3A_108 = arith.constant 0 : i32
    %dma_wait3A_109 = arith.constant 0 : i32
    %dma_wait3A_110 = tpu.memref_slice %arg4[%dma_wait3A_108, %dma_wait3A_109] : memref<320000x128xf32, #tpu.memory_space<hbm>> -> memref<80x128xf32, #tpu.memory_space<hbm>>
    %dma_wait3A_111 = arith.constant 0 : i32
    %dma_wait3A_112 = arith.constant 0 : i32
    %dma_wait3A_113 = tpu.memref_slice %arg4[%dma_wait3A_111, %dma_wait3A_112] : memref<320000x128xf32, #tpu.memory_space<hbm>> -> memref<80x128xf32, #tpu.memory_space<hbm>>
    tpu.wait_dma2 semaphore(%arg17 : memref<!tpu.dma_semaphore, #tpu.memory_space<semaphore_mem>>) src(%arg7 : memref<80x128xf32, #tpu.memory_space<vmem>>) dst(%dma_wait3A_113 : memref<80x128xf32, #tpu.memory_space<hbm>>)
    %dma_wait3A_114 = arith.constant 0 : i32
    %dma_wait3A_115 = arith.constant 0 : i32
    %dma_wait3A_116 = tpu.memref_slice %arg4[%dma_wait3A_114, %dma_wait3A_115] : memref<320000x128xf32, #tpu.memory_space<hbm>> -> memref<80x128xf32, #tpu.memory_space<hbm>>
    %dma_wait3A_117 = arith.constant 0 : i32
    %dma_wait3A_118 = arith.constant 0 : i32
    %dma_wait3A_119 = tpu.memref_slice %arg4[%dma_wait3A_117, %dma_wait3A_118] : memref<320000x128xf32, #tpu.memory_space<hbm>> -> memref<80x128xf32, #tpu.memory_space<hbm>>
    tpu.wait_dma2 semaphore(%arg18 : memref<!tpu.dma_semaphore, #tpu.memory_space<semaphore_mem>>) src(%arg8 : memref<80x128xf32, #tpu.memory_space<vmem>>) dst(%dma_wait3A_119 : memref<80x128xf32, #tpu.memory_space<hbm>>)
    %dma_wait3A_120 = arith.constant 0 : i32
    %dma_wait3A_121 = arith.constant 0 : i32
    %dma_wait3A_122 = tpu.memref_slice %arg4[%dma_wait3A_120, %dma_wait3A_121] : memref<320000x128xf32, #tpu.memory_space<hbm>> -> memref<80x128xf32, #tpu.memory_space<hbm>>
    %dma_wait3A_123 = arith.constant 0 : i32
    %dma_wait3A_124 = arith.constant 0 : i32
    %dma_wait3A_125 = tpu.memref_slice %arg4[%dma_wait3A_123, %dma_wait3A_124] : memref<320000x128xf32, #tpu.memory_space<hbm>> -> memref<80x128xf32, #tpu.memory_space<hbm>>
    tpu.wait_dma2 semaphore(%arg19 : memref<!tpu.dma_semaphore, #tpu.memory_space<semaphore_mem>>) src(%arg9 : memref<80x128xf32, #tpu.memory_space<vmem>>) dst(%dma_wait3A_125 : memref<80x128xf32, #tpu.memory_space<hbm>>)
    %dma_wait3A_126 = arith.constant 0 : i32
    %dma_wait3A_127 = arith.constant 0 : i32
    %dma_wait3A_128 = tpu.memref_slice %arg4[%dma_wait3A_126, %dma_wait3A_127] : memref<320000x128xf32, #tpu.memory_space<hbm>> -> memref<80x128xf32, #tpu.memory_space<hbm>>
    %dma_wait3A_129 = arith.constant 0 : i32
    %dma_wait3A_130 = arith.constant 0 : i32
    %dma_wait3A_131 = tpu.memref_slice %arg4[%dma_wait3A_129, %dma_wait3A_130] : memref<320000x128xf32, #tpu.memory_space<hbm>> -> memref<80x128xf32, #tpu.memory_space<hbm>>
    tpu.wait_dma2 semaphore(%arg20 : memref<!tpu.dma_semaphore, #tpu.memory_space<semaphore_mem>>) src(%arg10 : memref<80x128xf32, #tpu.memory_space<vmem>>) dst(%dma_wait3A_131 : memref<80x128xf32, #tpu.memory_space<hbm>>)
    return
  }
}

module attributes {stable_mosaic.version = 14 : i64} {
  func.func @_x_body(%arg0: i32, %arg1: memref<1x1x400xi32, #tpu.memory_space<vmem>>, %arg2: memref<1000x256xf32, #tpu.memory_space<vmem>>, %arg3: memref<400x256xf32, #tpu.memory_space<vmem>>) attributes {dimension_semantics = [#tpu.dimension_semantics<arbitrary>], iteration_bounds = array<i64: 25>, scalar_prefetch = 0 : i64, scratch_operands = 0 : i64, tpu.core_type = #tpu.core_type<tc>, window_params = [{transform_indices = @transform_0, window_bounds = array<i64: 1, 1, 400>}, {pipeline_mode = #tpu.pipeline_mode<synchronous>, transform_indices = @transform_1, window_bounds = array<i64: 1000, 256>}, {transform_indices = @transform_2, window_bounds = array<i64: 400, 256>}]} {
    %get3A = arith.constant 0 : index
    %get3A_0 = arith.constant 0 : index
    %get3A_1 = arith.constant 0 : index
    %get3A_2 = vector.load %arg1[%get3A, %get3A_0, %get3A_1] : memref<1x1x400xi32, #tpu.memory_space<vmem>>, vector<1x1x400xi32>
    %get3A_3 = vector.shape_cast %get3A_2 : vector<1x1x400xi32> to vector<400xi32>
    %broadcast_in_dim3A = vector.shape_cast %get3A_3 : vector<400xi32> to vector<400x1xi32>
    %iota3A = tpu.iota {dimensions = array<i32: 1>} : vector<400x1000xi32>
    %eq3A = vector.broadcast %broadcast_in_dim3A : vector<400x1xi32> to vector<400x1000xi32>
    %eq3A_4 = arith.cmpi eq, %eq3A, %iota3A : vector<400x1000xi32>
    %convert_element_type3A = arith.extui %eq3A_4 : vector<400x1000xi1> to vector<400x1000xi32>
    %convert_element_type3A_5 = arith.sitofp %convert_element_type3A : vector<400x1000xi32> to vector<400x1000xf32>
    %get3A_6 = arith.constant 0 : index
    %get3A_7 = arith.constant 0 : index
    %get3A_8 = vector.load %arg2[%get3A_6, %get3A_7] : memref<1000x256xf32, #tpu.memory_space<vmem>>, vector<1000x256xf32>
    %dot_general3A = arith.constant dense<0.000000e+00> : vector<400x256xf32>
    %dot_general3A_9 = tpu.matmul %convert_element_type3A_5, %get3A_8, %dot_general3A {dimension_numbers = #tpu.dot_dimension_numbers<[1], [0], [0], [1], [0, 0, 1, 1], [], []>, transpose_lhs_hint = false} : vector<400x1000xf32>, vector<1000x256xf32>, vector<400x256xf32> -> vector<400x256xf32>
    %swap3A = arith.constant 0 : index
    %swap3A_10 = arith.constant 0 : index
    %swap3A_11 = vector.load %arg3[%swap3A, %swap3A_10] : memref<400x256xf32, #tpu.memory_space<vmem>>, vector<400x256xf32>
    tpu.vector_store %arg3[%swap3A, %swap3A_10], %dot_general3A_9 {strides = array<i32>} : memref<400x256xf32, #tpu.memory_space<vmem>>, vector<400x256xf32>,
    return
  }
  func.func @transform_0(%arg0: i32) -> (i32, i32, i32) {
    %c0_i32 = arith.constant 0 : i32
    %c0_i32_0 = arith.constant 0 : i32
    %c0_i32_1 = arith.constant 0 : i32
    return %arg0, %c0_i32, %c0_i32_0 : i32, i32, i32
  }
  func.func @transform_1(%arg0: i32) -> (i32, i32) {
    %c0_i32 = arith.constant 0 : i32
    %c0_i32_0 = arith.constant 0 : i32
    %c0_i32_1 = arith.constant 0 : i32
    return %c0_i32, %c0_i32_0 : i32, i32
  }
  func.func @transform_2(%arg0: i32) -> (i32, i32) {
    %c0_i32 = arith.constant 0 : i32
    %c0_i32_0 = arith.constant 0 : i32
    return %arg0, %c0_i32 : i32, i32
  }
}

module attributes {stable_mosaic.version = 14 : i64} {
  func.func @_combine_body(%arg0: memref<128x128xf32, #tpu.memory_space<vmem>>, %arg1: memref<64x128xf32, #tpu.memory_space<vmem>>, %arg2: memref<128x64x128xf32, #tpu.memory_space<vmem>>) attributes {dimension_semantics = [], scalar_prefetch = 0 : i64, scratch_operands = 0 : i64, tpu.core_type = #tpu.core_type<tc>} {
    %get3A = arith.constant 0 : index
    %get3A_0 = arith.constant 0 : index
    %get3A_1 = vector.load %arg0[%get3A, %get3A_0] : memref<128x128xf32, #tpu.memory_space<vmem>>, vector<128x128xf32>
    %broadcast_in_dim3A = vector.shape_cast %get3A_1 : vector<128x128xf32> to vector<128x1x128xf32>
    %get3A_2 = arith.constant 0 : index
    %get3A_3 = arith.constant 0 : index
    %get3A_4 = vector.load %arg1[%get3A_2, %get3A_3] : memref<64x128xf32, #tpu.memory_space<vmem>>, vector<64x128xf32>
    %broadcast_in_dim3A_5 = vector.shape_cast %get3A_4 : vector<64x128xf32> to vector<1x64x128xf32>
    %add3A = vector.broadcast %broadcast_in_dim3A : vector<128x1x128xf32> to vector<128x64x128xf32>
    %add3A_6 = vector.broadcast %broadcast_in_dim3A_5 : vector<1x64x128xf32> to vector<128x64x128xf32>
    %add3A_7 = arith.addf %add3A, %add3A_6 : vector<128x64x128xf32>
    %swap3A = arith.constant 0 : index
    %swap3A_8 = arith.constant 0 : index
    %swap3A_9 = arith.constant 0 : index
    %swap3A_10 = vector.load %arg2[%swap3A, %swap3A_8, %swap3A_9] : memref<128x64x128xf32, #tpu.memory_space<vmem>>, vector<128x64x128xf32>
    tpu.vector_store %arg2[%swap3A, %swap3A_8, %swap3A_9], %add3A_7 {strides = array<i32>} : memref<128x64x128xf32, #tpu.memory_space<vmem>>, vector<128x64x128xf32>,
    return
  }
}

</mosaic_0001>

<sc_bundles>
// kernel: kernel.5.cloned.1.call-start
scs
__scs_entry_jumppad:
0x0: {  	(pc) =	sbr.rel $0x88, $3  }
0x1: {  	(tag) =	ssettag $0x0;
	lr =	simm.s32 $0x1  }
0x2: {  	[smem:$0x3F9C] =	sst lr;
	_ =	strace $0xD0000000  }
0x3: {  	_ = 	snop  }
0x4: {  	_ = 	snop  }
0x5: {  	_ = 	snop  }
0x6: {  	_ = 	snop  }
0x7: {  	_ = 	snop  }
__scs_overlays_trampoline_lowered:
0x8: {  	[smem:$0x3FAB] =	sst s0  }
0x9: {  	[smem:$0x3FAC] =	sst s1  }
0xa: {  	[smem:$0x3FAD] =	sst s2  }
0xb: {  	[smem:$0x3FAE] =	sst s3  }
0xc: {  	[smem:$0x3FAF] =	sst s4  }
0xd: {  	[smem:$0x3FB0] =	sst s5  }
0xe: {  	[smem:$0x3FB1] =	sst s6  }
0xf: {  	[smem:$0x3FB2] =	sst s7  }
0x10: {  	[smem:$0x3FB3] =	sst s8  }
0x11: {  	[smem:$0x3FB4] =	sst s9;
	s0 =	simm.s32 @!p0 $0x0  }
0x12: {  	s1 =	sld [smem:$0x3F9A];
	s0 =	simm.s32 @p0 $0x1  }
0x13: {  	[smem:$0x3FB5] =	sst s0;
	s0 =	simm.s32 @!p1 $0x0  }
0x14: {  	s2 =	sld [smem:$0x3F99];
	s0 =	simm.s32 @p1 $0x1  }
0x15: {  	[smem:$0x3FB6] =	sst s0;
	s0 =	simm.s32 @!p2 $0x0  }
0x16: {  	s3 =	sld [smem:$0x3FDB];
	s0 =	simm.s32 @p2 $0x1  }
0x17: {  	s4 =	simm.s32 $0x1BF5;
	[smem:$0x3FB8] =	sst s0  }
0x18: {  	s0 =	sld [smem:$0x3F9B];
	_ =	swait.ge [sflag:s4], $0x0  }
0x19: {  	s7 =	sld [smem:$0x3F9C]  }
0x1a: {  	s8 =	sadd.s32 $0xFFFFE003, lr  }
0x1b: {  	s9 =	sadd.s32 $0xFFFFFEF7, lr;
	s5 =	simm.s32 $0xFFFFFFFF;
	p2 =	slt.u32 s8, $0xFFFFF086  }
0x1c: {  	p1 =	slt.u32 s9, $0xF7A;
	s5 =	simm.s32 @!p2 $0x0  }
0x1d: {  	s5 =	simm.s32 @p1 $0x1;
	p0 =	seq.s32 s7, s2  }
0x1e: {  	s7 =	smul.u32 @!p0 $0xF7A, s2;
	p2 =	seq.s32 @!p0 s5, $0x0  }
0x1f: {  	s9 =	smul.u32 $0xF7A, s1;
	s8 =	simm.s32 @!p0 $0x1BF5;
	p2 =	por !p2, p0  }
0x20: {  	[sflag:s8] =	ssyncset.s32 @!p0 $0xFFFFF086;
	s6 =	sadd.s32 @!p0 s3, s7;
	s7 =	simm.s32 @!p0 $0x108  }
0x21: {  	s3 =	sadd.s32 s3, s9;
	s6 =	sadd.s32 @!p0 $0x88, s6;
	s7 =	simm.s32 @p2 $0x1082  }
0x22: {  	[simem:s7], [sflag:s8] =	dma.local @!p0 [hbm:s6], $0xF7A  }
0x23: {  	s9 =	sor.u32 $0xD0000000, s2;
	s6 =	simm.s32 $0x108;
	_ =	swait.ge @!p0 [sflag:s8], $0x0  }
0x24: {  	s3 =	sadd.s32 $0x88, s3;
	s6 =	simm.s32 @!p1 $0x1082;
	[sflag:s4] =	ssyncset.s32 $0xFFFFF086  }
0x25: {  	[simem:s6], [sflag:s4] =	dma.local [hbm:s3], $0xF7A  }
0x26: {  	[smem:$0x3F9C] =	sst s1;
	(tag) =	ssettag s2;
	_ =	strace s9  }
0x27: {  	s1 =	sld [smem:$0x3FAC]  }
0x28: {  	s2 =	sld [smem:$0x3FAD]  }
0x29: {  	s4 =	sld [smem:$0x3FAF]  }
0x2a: {  	p0 =	seq.s32 s5, $0x0;
	s5 =	sld [smem:$0x3FB0]  }
0x2b: {  	s6 =	sld [smem:$0x3FB1]  }
0x2c: {  	s7 =	sld [smem:$0x3FB2]  }
0x2d: {  	s3 =	simm.s32 $0x108;
	s8 =	sld [smem:$0x3FB3]  }
0x2e: {  	s3 =	simm.s32 @!p0 $0x1082;
	s9 =	sld [smem:$0x3FB4]  }
0x2f: {  	lr =	sadd.s32 s0, s3;
	s0 =	sld [smem:$0x3FAB]  }
0x30: {  	s3 =	sld [smem:$0x3FAE]  }
0x31: {  	[smem:$0x3FB7] =	sst s10  }
0x32: {  	s10 =	sld [smem:$0x3FB5];
	_ =	sdelay $0x3  }
0x33: {  	p0 =	seq.s32 s10, $0x1;
	s10 =	sld [smem:$0x3FB7];
	_ =	sdelay $0x3  }
0x34: {  	[smem:$0x3FB7] =	sst s10  }
0x35: {  	s10 =	sld [smem:$0x3FB6];
	_ =	sdelay $0x3  }
0x36: {  	p1 =	seq.s32 s10, $0x1;
	s10 =	sld [smem:$0x3FB7];
	_ =	sdelay $0x3  }
0x37: {  	[smem:$0x3FB7] =	sst s10  }
0x38: {  	s10 =	sld [smem:$0x3FB8]  }
0x39: {  	_ = 	snop;
	(pc) =	sbr.ind lr, $3  }
0x3a: {  	_ = 	snop  }
0x3b: {  	_ = 	snop  }
0x3c: {  	p2 =	seq.s32 s10, $0x1;
	s10 =	sld [smem:$0x3FB7]  }
0x3d: {  	_ =	shalt  }
0x3e: {  	_ =	shalt  }
0x3f: {  	_ =	shalt  }
0x40: {  	_ =	shalt  }
0x41: {  	_ =	shalt  }
0x42: {  	_ =	shalt  }
0x43: {  	_ =	shalt  }
0x44: {  	_ =	shalt  }
0x45: {  	_ =	shalt  }
0x46: {  	_ =	shalt  }
0x47: {  	_ =	shalt  }
0x48: {  	_ =	shalt  }
0x49: {  	_ =	shalt  }
0x4a: {  	_ =	shalt  }
0x4b: {  	_ =	shalt  }
0x4c: {  	_ =	shalt  }
0x4d: {  	_ =	shalt  }
0x4e: {  	_ =	shalt  }
0x4f: {  	_ =	shalt  }
0x50: {  	_ =	shalt  }
0x51: {  	_ =	shalt  }
0x52: {  	_ =	shalt  }
0x53: {  	_ =	shalt  }
0x54: {  	_ =	shalt  }
0x55: {  	_ =	shalt  }
0x56: {  	_ =	shalt  }
0x57: {  	_ =	shalt  }
0x58: {  	_ =	shalt  }
0x59: {  	_ =	shalt  }
0x5a: {  	_ =	shalt  }
0x5b: {  	_ =	shalt  }
0x5c: {  	_ =	shalt  }
0x5d: {  	_ =	shalt  }
0x5e: {  	_ =	shalt  }
0x5f: {  	_ =	shalt  }
0x60: {  	_ =	shalt  }
0x61: {  	_ =	shalt  }
0x62: {  	_ =	shalt  }
0x63: {  	_ =	shalt  }
0x64: {  	_ =	shalt  }
0x65: {  	_ =	shalt  }
0x66: {  	_ =	shalt  }
0x67: {  	_ =	shalt  }
0x68: {  	_ =	shalt  }
0x69: {  	_ =	shalt  }
0x6a: {  	_ =	shalt  }
0x6b: {  	_ =	shalt  }
0x6c: {  	_ =	shalt  }
0x6d: {  	_ =	shalt  }
0x6e: {  	_ =	shalt  }
0x6f: {  	_ =	shalt  }
0x70: {  	_ =	shalt  }
0x71: {  	_ =	shalt  }
0x72: {  	_ =	shalt  }
0x73: {  	_ =	shalt  }
0x74: {  	_ =	shalt  }
0x75: {  	_ =	shalt  }
0x76: {  	_ =	shalt  }
0x77: {  	_ =	shalt  }
0x78: {  	_ =	shalt  }
0x79: {  	_ =	shalt  }
0x7a: {  	_ =	shalt  }
0x7b: {  	_ =	shalt  }
0x7c: {  	_ =	shalt  }
0x7d: {  	_ =	shalt  }
0x7e: {  	_ =	shalt  }
0x7f: {  	_ =	shalt  }
0x80: {  	_ =	shalt  }
0x81: {  	_ =	shalt  }
0x82: {  	_ =	shalt  }
0x83: {  	_ =	shalt  }
0x84: {  	_ =	shalt  }
0x85: {  	_ =	shalt  }
0x86: {  	_ =	shalt  }
0x87: {  	_ =	shalt  }
.Lfunc_end0:
.L_simem_size_0:
called_computation_lowered:
.L_overlay_start_0:
0x88: {  	s2 =	sld [smem:$0x3FD9]  }
0x89: {  	s3 =	sld [smem:$0x3FFE];
	_ =	sdelay $0x1  }
0x8a: {  	s1 =	srdreg.scid  }
0x8b: {  	s0 =	sand.u32 $0x1, s1  }
0x8c: {  	s14 =	sshll.u32 s0, $0xA;
	s2 =	sadd.s32 s3, s2  }
0x8d: {  	s2 =	sadd.s32 s2, s14  }
0x8e: {  	[smem:$0x3FC3] =	sst s2  }
0x8f: {  	_ = 	snop  }
0x90: {  	s2 =	sld [smem:$0x3FD0];
	_ =	sdelay $0x2  }
0x91: {  	s4 =	simm.s32 $0xA;
	s5 =	simm.s32 $0x10;
	s15 =	sld [smem:$0x3FC8]  }
0x92: {  	[smem:s5], [sflag:s4] =	dma.local [hbm:s2], $0x1  }
0x93: {  	_ =	swait.eq [sflag:s4], $0x1  }
0x94: {  	[sflag:s4] =	ssyncset.done $0x0  }
0x95: {  	[sflag:s4] =	ssyncadd.s32 $0xFFFFFFFF  }
0x96: {  	s16 =	sld [smem:$0x11];
	(tm) =	ssettm $0x1  }
0x97: {  	s17 =	sld [smem:$0x3FFB];
	_ =	sdelay $0x3  }
0x98: {  	_ =	strace s17  }
0x99: {  	s4 =	sld [smem:$0x3FFC];
	_ =	sdelay $0x3  }
0x9a: {  	_ =	strace s4  }
0x9b: {  	s4 =	sld [smem:$0x3FFD];
	_ =	sdelay $0x3  }
0x9c: {  	_ =	strace s4  }
0x9d: {  	_ =	strace $0x8FFFFFFF  }
0x9e: {  	s18 =	sld [smem:$0x3FDB];
	_ =	sdelay $0x1  }
0x9f: {  	s19 =	simm.s32 $_scs_section_size  }
0xa0: {  	s6 =	simm.s32 $_size__tile_overlayer_lowered;
	s7 =	simm.s32 $_tile_overlayer_lowered  }
0xa1: {  	s22 =	simm.s32 $0x1BFF;
	s21 =	sshll.u32 s7, $0x1;
	s4 =	sadd.s32 s19, s18  }
0xa2: {  	s8 =	simm.s32 $0x0;
	s20 =	sshll.u32 s6, $0x1;
	s6 =	sadd.s32 s21, s4  }
0xa3: {  	[timem:s8], [sflag:s22] =	dma.local [hbm:s6], s20  }
0xa4: {  	_ =	swait.ge [sflag:s22], s20  }
0xa5: {  	s5 =	ssub.s32 $0x0, s20;
	[sflag:s22] =	ssyncset.done $0x0  }
0xa6: {  	[sflag:s22] =	ssyncadd.s32 s5;
	_ =	sdelay $0x1  }
0xa7: {  	s23 =	simm.s32 $0x1B8B  }
0xa8: {  	_ =	swait.ge [sflag:s23], $0x1  }
0xa9: {  	[sflag:s23] =	ssyncset.done $0x0  }
0xaa: {  	s25 =	simm.s32 $0x1B8E;
	s24 =	sld [smem:$0x3FFE];
	[sflag:s23] =	ssyncadd.s32 $0xFFFFFFFF  }
0xab: {  	s26 =	simm.s32 $execute0_lowered;
	[smem:$0x3FD2] =	sst s25  }
0xac: {  	s6 =	sshll.u32 s26, $0x1;
	_ =	strace $0x80000046;
	[dreg:$0x1] =	wrdreg $0xFFFFFFFF  }
0xad: {  	s28 =	simm.s32 $_size_execute0_lowered;
	s4 =	sadd.s32 s4, s6;
	[dreg:$0x0] =	wrdreg $0x0  }
0xae: {  	s6 =	sshll.u32 s28, $0x1;
	[dreg:$0x2] =	wrdreg s4  }
0xaf: {  	[dreg:$0x3] =	wrdreg s6  }
0xb0: {  	[dreg:$0x4] =	wrdreg $0xC0  }
0xb1: {  	_ =	task [dreg:s8], $0x5FFFF  }
0xb2: {  	[dreg:$0x1] =	wrdreg $0xFFFFFFFF  }
0xb3: {  	[dreg:$0x0] =	wrdreg $0x60  }
0xb4: {  	[dreg:$0x2] =	wrdreg s15  }
0xb5: {  	[dreg:$0x3] =	wrdreg s24  }
0xb6: {  	[dreg:$0x4] =	wrdreg s16  }
0xb7: {  	[dreg:$0x5] =	wrdreg $0xEF800  }
0xb8: {  	[dreg:$0x6] =	wrdreg $0x9  }
0xb9: {  	_ =	task.clear_ibuf [dreg:s8], $0x7FFFF;
	_ =	strace $0x90000046  }
0xba: {  	s29 =	simm.s32 $0x9;
	_ =	strace $0x80000048  }
0xbb: {  	_ =	swait.ge [sflag:s29], $0x1  }
0xbc: {  	[sflag:s29] =	ssyncadd.s32 $0xFFFFFFFF  }
0xbd: {  	_ =	strace $0x90000048  }
0xbe: {  	_ =	sfence  }
0xbf: {  	s30 =	sld [smem:$0x0];
	_ =	sdelay $0x2  }
0xc0: {  	s31 =	sshll.u32 s1, $0xD;
	s1 =	sshrl.u32 s1, $0x2  }
0xc1: {  	s3 =	sand.u32 $0x4000, s31;
	s1 =	sadd.s32 s1, s30  }
0xc2: {  	s0 =	sor.u32 s3, s0;
	s1 =	sshll.u32 s1, $0x11  }
0xc3: {  	s0 =	sor.u32 s1, s0  }
0xc4: {  	s0 =	sadd.s32 $0x8F2B, s0  }
0xc5: {  	[sflag:s0] =	ssyncadd.remote.s32 $0x1  }
0xc6: {  	_ =	sfence.sel $0xFFFF  }
0xc7: {  	[dreg:$0x0] =	wrdreg $0xFFFFFFFF;
	(pc) =	sbr.abs _section_cstart, $3  }
0xc8: {  	[dreg:$0x1] =	wrdreg $0xFFFFFFFF  }
0xc9: {  	_ =	task.clear_ibuf [dreg:s8], $0x2FFFF;
	_ =	strace $0x9FFFFFFF  }
0xca: {  	(tm) =	ssettm $0x7FFFFFFF  }
0xcb: {  	_ =	shalt  }
tec
execute0_lowered:
.L_overlay_start_1:
0x0: {  	(tag) =	ssettag $0x1  }
0x1: {  	s0 =	rddreg [dreg:$0x0]  }
0x2: {  	s1 =	rddreg [dreg:$0x1]  }
0x3: {  	s4 =	rddreg [dreg:$0x2]  }
0x4: {  	s2 =	rddreg [dreg:$0x3];
	s3 =	simm.s32 $0x0  }
0x5: {  	s10 =	stileid.u32;
	s5 =	srdreg.scid;
	s14 =	simm.s32 $0xB  }
0x6: {  	s15 =	simm.s32 $0x1;
	s16 =	simm.s32 $0x50;
	s17 =	simm.s32 $0x2780  }
0x7: {  	s18 =	simm.s32 $0x4F80;
	s28 =	simm.s32 $0x4;
	s29 =	simm.s32 $0x5  }
0x8: {  	s30 =	simm.s32 $0x6;
	s31 =	simm.s32 $0x7;
	[smem:$0x7FF] =	sst s3  }
0x9: {  	s6 =	sshll.u32 s10, $0xD;
	s5 =	sand.u32 $0x1, s5;
	s7 =	sshll.u32 s10, $0x1  }
0xa: {  	s9 =	sshll.u32 s10, $0x10;
	s21 =	sshll.u32 s10, $0x6;
	s25 =	smul.u32 $0x4E200, s10  }
0xb: {  	s19 =	ssub.s32 $0x2, s5;
	s7 =	sor.u32 s5, s7;
	s5 =	smul.u32 $0x27100, s5  }
0xc: {  	_ =	strace $0x80000047;
	s1 =	sadd.s32 s6, s1;
	s20 =	smul.u32 $0x2710, s7  }
0xd: {  	s13 =	sadd.s32 s9, s2;
	s8 =	sshrl.u32 s19, $0x1;
	s22 =	smul.u32 $0x138800, s7  }
0xe: {  	s1 =	sadd.s32 $0xE00, s1;
	s7 =	smul.u32 $0x27100, s7;
	s13 =	sshrl.u32 s13, $0x3  }
0xf: {  	s12 =	ssub.s32 s19, s8;
	[dreg:$0x6] =	wrdreg s1;
	s1 =	sor.u32 $0x1C01, s21  }
0x10: {  	s19 =	simm.s32 $0xA;
	s21 =	simm.s32 $0x0;
	[dreg:$0x7] =	wrdreg s1  }
0x11: {  	s23 =	sshrl.u32 s20, $0x3;
	s24 =	sshrl.u32 s22, $0x3;
	s7 =	sadd.s32 s4, s7  }
0x12: {  	s1 =	sadd.s32 s25, s4;
	s12 =	smax.u32 s12, $0x1;
	s20 =	simm.s32 $0x7780  }
0x13: {  	s22 =	simm.s32 $0x9F80;
	s25 =	simm.s32 $0x2;
	s0 =	sadd.s32 s0, s23  }
0x14: {  	s26 =	sadd.s32 s5, s1;
	s1 =	simm.s32 $0x9;
	[dreg:$0x8] =	wrdreg s0  }
0x15: {  	s0 =	sadd.s32 s4, s24;
	[dreg:$0x5] =	wrdreg s26;
	s24 =	simm.s32 $0xC780  }
0x16: {  	s26 =	simm.s32 $0x3;
	s8 =	sadd.s32 $0x500, s0;
	s9 =	sadd.s32 $0xA00, s0  }
0x17: {  	s10 =	sadd.s32 $0xF00, s0;
	s11 =	sadd.s32 $0x1400, s0;
	s0 =	simm.s32 $0x8  }
.LBB2_1:
0x18: {  	s4 =	rddreg [dreg:$0x6]  }
0x19: {  	s5 =	rddreg [dreg:$0x7]  }
0x1a: {  	[spmem:s13], [sflag:s5] =	dma.local [hbm:s4], $0x2000  }
0x1b: {  	s4 =	rddreg [dreg:$0x8]  }
0x1c: {  	[tilespmem:s3], [sflag:$0xB] =	stream.linear.gather [hbm4b:s4+s3], $0x2710, $0x38;
	[tilespmem:$0x1EF80] =	vst v63  }
0x1d: {  	_ =	swait.ge [sflag:s14], $0x2710  }
0x1e: {  	[sflag:s14] =	ssyncset.done $0x0  }
0x1f: {  	[sflag:s14] =	ssyncadd.s32 $0xFFFFD8F0  }
0x20: {  	_ =	swait.ge [sflag:s15], $0x2000  }
0x21: {  	[sflag:s15] =	ssyncset.done $0x0  }
0x22: {  	[sflag:s15] =	ssyncadd.s32 $0xFFFFE000  }
0x23: {  	[bflag:$0x0] =	sbarrier.arrive $0xFFFF  }
0x24: {  	[tilespmem:s17], [sflag:$0x1] =	stream.indirect.gather [spmem:s2], $0x80, s3, s16, $0xb8;
	[tilespmem:$0x1EF80] =	vst v63  }
0x25: {  	_ = 	snop  }
0x26: {  	[tilespmem:s18], [sflag:$0x2] =	stream.indirect.gather [spmem:s2], $0x80, s16, s16, $0xb8;
	[tilespmem:$0x1EF80] =	vst v63  }
0x27: {  	s6 =	simm.s32 $0xA0  }
0x28: {  	[tilespmem:s20], [sflag:$0x3] =	stream.indirect.gather [spmem:s2], $0x80, s6, s16, $0xb8;
	[tilespmem:$0x1EF80] =	vst v63  }
0x29: {  	s23 =	simm.s32 $0xF0  }
0x2a: {  	[tilespmem:s22], [sflag:$0x4] =	stream.indirect.gather [spmem:s2], $0x80, s23, s16, $0xb8;
	[tilespmem:$0x1EF80] =	vst v63  }
0x2b: {  	s5 =	simm.s32 $0x140  }
0x2c: {  	[tilespmem:s24], [sflag:$0x5] =	stream.indirect.gather [spmem:s2], $0x80, s5, s16, $0xb8;
	[tilespmem:$0x1EF80] =	vst v63  }
0x2d: {  	_ =	swait.ge [sflag:s15], $0x2800  }
0x2e: {  	[sflag:s15] =	ssyncset.done $0x0  }
0x2f: {  	[sflag:s15] =	ssyncadd.s32 $0xFFFFD800  }
0x30: {  	[hbm4b:s7+s3] =	stream.linear.scatter [tilespmem:s17], [sflag:$0x6], $0x2800, $0x38;
	[tilespmem:$0x1EF80] =	vst v63  }
0x31: {  	_ =	swait.ge [sflag:s25], $0x2800  }
0x32: {  	[sflag:s25] =	ssyncset.done $0x0  }
0x33: {  	[sflag:s25] =	ssyncadd.s32 $0xFFFFD800  }
0x34: {  	[hbm4b:s8+s3] =	stream.linear.scatter [tilespmem:s18], [sflag:$0x7], $0x2800, $0x38;
	[tilespmem:$0x1EF80] =	vst v63  }
0x35: {  	_ =	swait.ge [sflag:s26], $0x2800  }
0x36: {  	[sflag:s26] =	ssyncset.done $0x0  }
0x37: {  	[sflag:s26] =	ssyncadd.s32 $0xFFFFD800  }
0x38: {  	[hbm4b:s9+s3] =	stream.linear.scatter [tilespmem:s20], [sflag:$0x8], $0x2800, $0x38;
	[tilespmem:$0x1EF80] =	vst v63  }
0x39: {  	_ =	swait.ge [sflag:s28], $0x2800  }
0x3a: {  	[sflag:s28] =	ssyncset.done $0x0  }
0x3b: {  	[sflag:s28] =	ssyncadd.s32 $0xFFFFD800  }
0x3c: {  	[hbm4b:s10+s3] =	stream.linear.scatter [tilespmem:s22], [sflag:$0x9], $0x2800, $0x38;
	[tilespmem:$0x1EF80] =	vst v63  }
0x3d: {  	_ =	swait.ge [sflag:s29], $0x2800  }
0x3e: {  	[sflag:s29] =	ssyncset.done $0x0  }
0x3f: {  	[sflag:s29] =	ssyncadd.s32 $0xFFFFD800  }
0x40: {  	[hbm4b:s11+s3] =	stream.linear.scatter [tilespmem:s24], [sflag:$0xA], $0x2800, $0x38;
	[tilespmem:$0x1EF80] =	vst v63  }
0x41: {  	_ =	swait.ge [sflag:s30], $0x2800  }
0x42: {  	[sflag:s30] =	ssyncset.done $0x0  }
0x43: {  	s6 =	simm.s32 $0x190;
	[sflag:s30] =	ssyncadd.s32 $0xFFFFD800  }
0x44: {  	[tilespmem:s17], [sflag:$0x1] =	stream.indirect.gather [spmem:s2], $0x80, s6, s16, $0xb8;
	[tilespmem:$0x1EF80] =	vst v63  }
0x45: {  	_ =	swait.ge [sflag:s31], $0x2800  }
0x46: {  	[sflag:s31] =	ssyncset.done $0x0  }
0x47: {  	s23 =	simm.s32 $0x1E0;
	[sflag:s31] =	ssyncadd.s32 $0xFFFFD800  }
0x48: {  	[tilespmem:s18], [sflag:$0x2] =	stream.indirect.gather [spmem:s2], $0x80, s23, s16, $0xb8;
	[tilespmem:$0x1EF80] =	vst v63  }
0x49: {  	_ =	swait.ge [sflag:s0], $0x2800  }
0x4a: {  	[sflag:s0] =	ssyncset.done $0x0  }
0x4b: {  	s5 =	simm.s32 $0x230;
	[sflag:s0] =	ssyncadd.s32 $0xFFFFD800  }
0x4c: {  	[tilespmem:s20], [sflag:$0x3] =	stream.indirect.gather [spmem:s2], $0x80, s5, s16, $0xb8;
	[tilespmem:$0x1EF80] =	vst v63  }
0x4d: {  	_ =	swait.ge [sflag:s1], $0x2800  }
0x4e: {  	[sflag:s1] =	ssyncset.done $0x0  }
0x4f: {  	s6 =	simm.s32 $0x280;
	[sflag:s1] =	ssyncadd.s32 $0xFFFFD800  }
0x50: {  	[tilespmem:s22], [sflag:$0x4] =	stream.indirect.gather [spmem:s2], $0x80, s6, s16, $0xb8;
	[tilespmem:$0x1EF80] =	vst v63  }
0x51: {  	_ =	swait.ge [sflag:s19], $0x2800  }
0x52: {  	[sflag:s19] =	ssyncset.done $0x0  }
0x53: {  	s23 =	simm.s32 $0x2D0;
	[sflag:s19] =	ssyncadd.s32 $0xFFFFD800  }
0x54: {  	[tilespmem:s24], [sflag:$0x5] =	stream.indirect.gather [spmem:s2], $0x80, s23, s16, $0xb8;
	[tilespmem:$0x1EF80] =	vst v63  }
0x55: {  	_ =	swait.ge [sflag:s15], $0x2800  }
0x56: {  	s5 =	rddreg [dreg:$0x5]  }
0x57: {  	[sflag:s15] =	ssyncset.done $0x0;
	s4 =	sadd.s32 $0x0, s5  }
0x58: {  	[sflag:s15] =	ssyncadd.s32 $0xFFFFD800;
	s6 =	sadd.s32 $0x1900, s4  }
0x59: {  	[hbm4b:s6+s3] =	stream.linear.scatter [tilespmem:s17], [sflag:$0x6], $0x2800, $0x38;
	[tilespmem:$0x1EF80] =	vst v63  }
0x5a: {  	_ =	swait.ge [sflag:s25], $0x2800  }
0x5b: {  	[sflag:s25] =	ssyncset.done $0x0  }
0x5c: {  	s23 =	sadd.s32 $0x1E00, s4;
	[sflag:s25] =	ssyncadd.s32 $0xFFFFD800  }
0x5d: {  	[hbm4b:s23+s3] =	stream.linear.scatter [tilespmem:s18], [sflag:$0x7], $0x2800, $0x38;
	[tilespmem:$0x1EF80] =	vst v63  }
0x5e: {  	_ =	swait.ge [sflag:s26], $0x2800  }
0x5f: {  	[sflag:s26] =	ssyncset.done $0x0  }
0x60: {  	s6 =	sadd.s32 $0x2300, s4;
	[sflag:s26] =	ssyncadd.s32 $0xFFFFD800  }
0x61: {  	[hbm4b:s6+s3] =	stream.linear.scatter [tilespmem:s20], [sflag:$0x8], $0x2800, $0x38;
	[tilespmem:$0x1EF80] =	vst v63  }
0x62: {  	_ =	swait.ge [sflag:s28], $0x2800  }
0x63: {  	[sflag:s28] =	ssyncset.done $0x0  }
0x64: {  	s23 =	sadd.s32 $0x2800, s4;
	[sflag:s28] =	ssyncadd.s32 $0xFFFFD800  }
0x65: {  	[hbm4b:s23+s3] =	stream.linear.scatter [tilespmem:s22], [sflag:$0x9], $0x2800, $0x38;
	[tilespmem:$0x1EF80] =	vst v63  }
0x66: {  	_ =	swait.ge [sflag:s29], $0x2800  }
0x67: {  	s5 =	sadd.s32 $0x2D00, s4;
	[sflag:s29] =	ssyncset.done $0x0  }
0x68: {  	s4 =	simm.s32 $0x460;
	s23 =	simm.s32 $0x1900;
	[sflag:s29] =	ssyncadd.s32 $0xFFFFD800  }
.LBB2_2:
0x69: {  	[hbm4b:s5+s3] =	stream.linear.scatter [tilespmem:s24], [sflag:$0xA], $0x2800, $0x38;
	[tilespmem:$0x1EF80] =	vst v63  }
0x6a: {  	_ =	swait.ge [sflag:s30], $0x2800  }
0x6b: {  	[sflag:s30] =	ssyncset.done $0x0  }
0x6c: {  	s6 =	sadd.s32 $0xFFFFFEC0, s4;
	[sflag:s30] =	ssyncadd.s32 $0xFFFFD800  }
0x6d: {  	[tilespmem:s17], [sflag:$0x1] =	stream.indirect.gather [spmem:s2], $0x80, s6, s16, $0xb8;
	[tilespmem:$0x1EF80] =	vst v63  }
0x6e: {  	_ =	swait.ge [sflag:s31], $0x2800  }
0x6f: {  	[sflag:s31] =	ssyncset.done $0x0  }
0x70: {  	s6 =	sadd.s32 $0xFFFFFF10, s4;
	[sflag:s31] =	ssyncadd.s32 $0xFFFFD800  }
0x71: {  	[tilespmem:s18], [sflag:$0x2] =	stream.indirect.gather [spmem:s2], $0x80, s6, s16, $0xb8;
	[tilespmem:$0x1EF80] =	vst v63  }
0x72: {  	_ =	swait.ge [sflag:s0], $0x2800  }
0x73: {  	[sflag:s0] =	ssyncset.done $0x0  }
0x74: {  	s6 =	sadd.s32 $0xFFFFFF60, s4;
	[sflag:s0] =	ssyncadd.s32 $0xFFFFD800  }
0x75: {  	[tilespmem:s20], [sflag:$0x3] =	stream.indirect.gather [spmem:s2], $0x80, s6, s16, $0xb8;
	[tilespmem:$0x1EF80] =	vst v63  }
0x76: {  	_ =	swait.ge [sflag:s1], $0x2800  }
0x77: {  	[sflag:s1] =	ssyncset.done $0x0  }
0x78: {  	s6 =	sadd.s32 $0xFFFFFFB0, s4;
	[sflag:s1] =	ssyncadd.s32 $0xFFFFD800  }
0x79: {  	[tilespmem:s22], [sflag:$0x4] =	stream.indirect.gather [spmem:s2], $0x80, s6, s16, $0xb8;
	[tilespmem:$0x1EF80] =	vst v63  }
0x7a: {  	_ =	swait.ge [sflag:s19], $0x2800  }
0x7b: {  	[sflag:s19] =	ssyncset.done $0x0  }
0x7c: {  	[sflag:s19] =	ssyncadd.s32 $0xFFFFD800  }
0x7d: {  	[tilespmem:s24], [sflag:$0x5] =	stream.indirect.gather [spmem:s2], $0x80, s4, s16, $0xb8;
	[tilespmem:$0x1EF80] =	vst v63  }
0x7e: {  	_ =	swait.ge [sflag:s15], $0x2800  }
0x7f: {  	s5 =	smov.u32 s23;
	s6 =	rddreg [dreg:$0x5]  }
0x80: {  	[sflag:s15] =	ssyncset.done $0x0;
	s5 =	sadd.s32 s5, s6  }
0x81: {  	[sflag:s15] =	ssyncadd.s32 $0xFFFFD800;
	s6 =	sadd.s32 $0x1900, s5  }
0x82: {  	[hbm4b:s6+s3] =	stream.linear.scatter [tilespmem:s17], [sflag:$0x6], $0x2800, $0x38;
	[tilespmem:$0x1EF80] =	vst v63  }
0x83: {  	_ =	swait.ge [sflag:s25], $0x2800  }
0x84: {  	[sflag:s25] =	ssyncset.done $0x0  }
0x85: {  	s6 =	sadd.s32 $0x1E00, s5;
	[sflag:s25] =	ssyncadd.s32 $0xFFFFD800  }
0x86: {  	[hbm4b:s6+s3] =	stream.linear.scatter [tilespmem:s18], [sflag:$0x7], $0x2800, $0x38;
	[tilespmem:$0x1EF80] =	vst v63  }
0x87: {  	_ =	swait.ge [sflag:s26], $0x2800  }
0x88: {  	[sflag:s26] =	ssyncset.done $0x0  }
0x89: {  	s6 =	sadd.s32 $0x2300, s5;
	[sflag:s26] =	ssyncadd.s32 $0xFFFFD800  }
0x8a: {  	[hbm4b:s6+s3] =	stream.linear.scatter [tilespmem:s20], [sflag:$0x8], $0x2800, $0x38;
	[tilespmem:$0x1EF80] =	vst v63  }
0x8b: {  	_ =	swait.ge [sflag:s28], $0x2800  }
0x8c: {  	p0 =	sne.s32 s23, $0x23F00;
	[sflag:s28] =	ssyncset.done $0x0  }
.Ltmp0:
0x8d: {  	s6 =	sadd.s32 $0x2800, s5;
	[sflag:s28] =	ssyncadd.s32 $0xFFFFD800;
	(pc) =	sbr.rel @p0 .LBB2_2-.Ltmp0, $4  }
0x8e: {  	[hbm4b:s6+s3] =	stream.linear.scatter [tilespmem:s22], [sflag:$0x9], $0x2800, $0x38;
	[tilespmem:$0x1EF80] =	vst v63  }
0x8f: {  	_ =	swait.ge [sflag:s29], $0x2800  }
0x90: {  	s23 =	sadd.s32 $0x1900, s23;
	[sflag:s29] =	ssyncset.done $0x0  }
0x91: {  	s4 =	sadd.s32 $0x190, s4;
	s5 =	sadd.s32 $0x2D00, s5;
	[sflag:s29] =	ssyncadd.s32 $0xFFFFD800  }
0x92: {  	[hbm4b:s5+s3] =	stream.linear.scatter [tilespmem:s24], [sflag:$0xA], $0x2800, $0x38;
	[tilespmem:$0x1EF80] =	vst v63  }
0x93: {  	_ =	swait.ge [sflag:s30], $0x2800  }
0x94: {  	[sflag:s30] =	ssyncset.done $0x0  }
0x95: {  	[sflag:s30] =	ssyncadd.s32 $0xFFFFD800  }
0x96: {  	_ =	swait.ge [sflag:s31], $0x2800  }
0x97: {  	[sflag:s31] =	ssyncset.done $0x0  }
0x98: {  	[sflag:s31] =	ssyncadd.s32 $0xFFFFD800  }
0x99: {  	_ =	swait.ge [sflag:s0], $0x2800  }
0x9a: {  	[sflag:s0] =	ssyncset.done $0x0  }
0x9b: {  	s21 =	sadd.s32 $0x1, s21;
	[sflag:s0] =	ssyncadd.s32 $0xFFFFD800  }
0x9c: {  	p0 =	sne.s32 s21, s12;
	_ =	swait.ge [sflag:s1], $0x2800  }
.Ltmp1:
0x9d: {  	[sflag:s1] =	ssyncset.done $0x0;
	(pc) =	sbr.rel @p0 .LBB2_1-.Ltmp1, $4  }
0x9e: {  	[sflag:s1] =	ssyncadd.s32 $0xFFFFD800  }
0x9f: {  	_ =	swait.ge [sflag:s19], $0x2800  }
0xa0: {  	[sflag:s19] =	ssyncset.done $0x0  }
0xa1: {  	[sflag:s19] =	ssyncadd.s32 $0xFFFFD800  }
0xa2: {  	_ =	sfence.sel $0x180000  }
0xa3: {  	[bflag:$0x0] =	sbarrier.arrive $0xFFFF  }
0xa4: {  	_ =	strace $0x90000047  }
0xa5: {  	s0 =	stileid.u32;
	[bflag:$0x2] =	sbarrier.arrive $0xFFFF  }
0xa6: {  	p0 =	sne.s32 s0, $0x0;
	s0 =	rddreg [dreg:$0x4]  }
0xa7: {  	s0 =	sadd.s32 @!p0 $0x100000, s0  }
0xa8: {  	[sflag:s0] =	ssyncadd.tile.s32 @!p0 $0x1;
	_ =	shalt  }
.Lfunc_end2:
_tile_overlayer_lowered:
.L_overlay_start_2:
0xa9: {  	(tag) =	ssettag $0x2  }
0xaa: {  	s0 =	rddreg [dreg:$0x0];
	s2 =	stileid.u32  }
0xab: {  	s1 =	rddreg [dreg:$0x1];
	p0 =	sne.s32 s2, $0x0  }
0xac: {  	s3 =	rddreg [dreg:$0x2];
	[bflag:$0x3] =	sbarrier.arrive $0xFFFF;
	s2 =	simm.s32 @!p0 $0x1C0B  }
0xad: {  	[timem:s3], [sflag:s2] =	dma.local @!p0 [hbm:s0], s1  }
0xae: {  	s0 =	simm.s32 @!p0 $0xB  }
0xaf: {  	_ =	swait.ge @!p0 [sflag:s0], s1  }
0xb0: {  	s1 =	ssub.s32 @!p0 $0x0, s1;
	[sflag:s0] =	ssyncset.done @!p0 $0x0  }
0xb1: {  	[sflag:s0] =	ssyncadd.s32 @!p0 s1  }
0xb2: {  	[bflag:$0x3] =	sbarrier.arrive $0xFFFF  }
0xb3: {  	_ =	shalt  }

</sc_bundles>
